<compile_context>
chip_gen: v7x
topology: tpu7x:2x2x1
jax: 0.10.2.dev20260603
libtpu: 0.0.44.dev20260713+nightly
codegen_flags: <defaults>
</compile_context>

<pallas_src>
import functools

import jax
import jax.numpy as jnp
from jax import lax
from jax.experimental import pallas as pl
from jax.experimental.pallas import tpu as pltpu
from jax.experimental.pallas import tpu_sc as plsc

_L = 16
_CHAINS = 4
_NUM_CORES = 1


def _row_argmax(w_v, lane, N):
  nsteps = N // _L
  def sweep(o, carry):
    accs = list(carry)
    base = o * (2 * _CHAINS)
    for u in range(2 * _CHAINS):
      a = u % _CHAINS
      j = base + u
      bv, bj = accs[a]
      vals = w_v[pl.ds(j * _L, _L)]
      m = vals > bv
      bv = jnp.where(m, vals, bv)
      bj = jnp.where(m, j, bj)
      accs[a] = (bv, bj)
    return tuple(accs)

  init = tuple(
      (jnp.full((_L,), -jnp.inf, jnp.float32), jnp.zeros((_L,), jnp.int32))
      for _ in range(_CHAINS))
  accs = lax.fori_loop(0, nsteps // (2 * _CHAINS), sweep, init)
  bv, bj = accs[0]
  for ov, oj in accs[1:]:
    better = (ov > bv) | ((ov == bv) & (oj < bj))
    bv = jnp.where(better, ov, bv)
    bj = jnp.where(better, oj, bj)
  bi = bj * _L + lane
  for k in (8, 4, 2, 1):
    perm = lane ^ k
    ov = bv.at[perm].get(mode="promise_in_bounds")
    oi = bi.at[perm].get(mode="promise_in_bounds")
    better = (ov > bv) | ((ov == bv) & (oi < bi))
    bv = jnp.where(better, ov, bv)
    bi = jnp.where(better, oi, bi)
  return bv[0], bi[0]


def _select_body(N, D, R, sw_hbm, mem_hbm, out_hbm, *scratch):
  w_refs = scratch[:R]
  row_refs = scratch[R:2 * R]
  sems = scratch[2 * R:3 * R]
  sid = lax.axis_index("s")
  if _NUM_CORES > 1:
    wid = sid * _NUM_CORES + lax.axis_index("c")
  else:
    wid = sid
  lane = lax.iota(jnp.int32, _L)
  base = wid * R

  w_cps = [pltpu.async_copy(sw_hbm.at[base + r], w_refs[r], sems[r])
           for r in range(R)]
  r_cps = []
  for r in range(R):
    w_cps[r].wait()
    _, i = _row_argmax(w_refs[r], lane, N)
    r_cps.append(
        pltpu.async_copy(mem_hbm.at[(base + r) * N + i], row_refs[r],
                         sems[r]))
  o_cps = []
  for r in range(R):
    r_cps[r].wait()
    o_cps.append(
        pltpu.async_copy(row_refs[r], out_hbm.at[base + r], sems[r]))
  for cp in o_cps:
    cp.wait()


def kernel(previous_encoded_m, sim_weights):
  B, N = sim_weights.shape
  D = previous_encoded_m.shape[2]
  R = B // (16 * _NUM_CORES)

  table = previous_encoded_m.reshape(B * N, D)

  mesh = plsc.VectorSubcoreMesh(
      core_axis_name="c", subcore_axis_name="s", num_cores=_NUM_CORES)
  run = pl.kernel(
      functools.partial(_select_body, N, D, R),
      mesh=mesh,
      out_type=jax.ShapeDtypeStruct((B, D), jnp.float32),
      scratch_types=(
          [pltpu.VMEM((N,), jnp.float32)] * R
          + [pltpu.VMEM((D,), jnp.float32)] * R
          + [pltpu.SemaphoreType.DMA] * R
      ),
  )
  return run(sim_weights, table)

# --- scband reference (transcript-rebuilt; emitter-appended) ---
"""Pipeline reference for scband-select-c-51616916964169 (READ-ONLY COPY).

The authoritative reference and input builder live on the scoring server;
editing this copy changes nothing except your own understanding.
"""

import jax, jax.numpy as jnp
import numpy as np


def setup_inputs(seed: int = 0) -> dict:
    key = jax.random.key(seed)
    k1, k2 = jax.random.split(key)
    previous_encoded_m = jax.random.normal(k1, (64, 2048, 1024), dtype=jnp.float32)
    sim_weights = jax.random.uniform(k2, (64, 2048), dtype=jnp.float32)
    return {"previous_encoded_m": previous_encoded_m, "sim_weights": sim_weights}


def reference(previous_encoded_m, sim_weights):
    # hard (non-soft) SCMA selection path
    sim_weights_c = jax.lax.stop_gradient(sim_weights)
    value = jnp.max(sim_weights_c, axis=1)            # [B]
    max_indices = jnp.argmax(sim_weights_c, axis=1)   # [B]
    B = sim_weights_c.shape[0]
    # mask.scatter_(1, max_indices, 1)
    mask = jnp.zeros_like(sim_weights_c).at[jnp.arange(B), max_indices].set(1.0)
    # mask_diff[mask == 1] = 1 - value  (constant w.r.t. grads, built from detached values)
    mask_diff = mask * (1.0 - value)[:, None]
    sw = sim_weights * mask + mask_diff
    selected_memory = jnp.sum(sw[:, :, None] * previous_encoded_m, axis=1)  # [B, d]
    return selected_memory

if __name__ == "__main__":
    import jax
    _d = setup_inputs()
    print(jax.jit(kernel)(*tuple(_d.values())))

</pallas_src>

<mosaic_0001>
#map = affine_map<(d0, d1) -> (0, 0)>
module attributes {stable_mosaic.version = 14 : i64} {
  func.func @_select_body(%arg0: i32, %arg1: i32, %arg2: memref<64x2048xf32, #tpu.memory_space<hbm>>, %arg3: memref<131072x1024xf32, #tpu.memory_space<hbm>>, %arg4: memref<64x1024xf32, #tpu.memory_space<hbm>>, %arg5: memref<2048xf32, #tpu.memory_space<vmem>>, %arg6: memref<2048xf32, #tpu.memory_space<vmem>>, %arg7: memref<2048xf32, #tpu.memory_space<vmem>>, %arg8: memref<2048xf32, #tpu.memory_space<vmem>>, %arg9: memref<1024xf32, #tpu.memory_space<vmem>>, %arg10: memref<1024xf32, #tpu.memory_space<vmem>>, %arg11: memref<1024xf32, #tpu.memory_space<vmem>>, %arg12: memref<1024xf32, #tpu.memory_space<vmem>>, %arg13: memref<!tpu.dma_semaphore, #tpu.memory_space<semaphore_mem>>, %arg14: memref<!tpu.dma_semaphore, #tpu.memory_space<semaphore_mem>>, %arg15: memref<!tpu.dma_semaphore, #tpu.memory_space<semaphore_mem>>, %arg16: memref<!tpu.dma_semaphore, #tpu.memory_space<semaphore_mem>>) attributes {dimension_semantics = [#tpu.dimension_semantics<core_parallel>, #tpu.dimension_semantics<subcore_parallel>], iteration_bounds = array<i64: 1, 16>, scalar_prefetch = 0 : i64, scratch_operands = 12 : i64, tpu.core_type = #tpu.core_type<sc_vector_subcore>, window_params = [{transform_indices = #map}, {transform_indices = #map}, {transform_indices = #map}]} {
    %iota3A = tpu.iota {dimensions = array<i32: 0>} : vector<16xi32>
    %mul3A = arith.constant 4 : i32
    %mul3A_0 = arith.muli %arg1, %mul3A : i32
    %add3A = arith.constant 0 : i32
    %add3A_1 = arith.addi %mul3A_0, %add3A : i32
    %dma_start3A = arith.constant 0 : i32
    %dma_start3A_2 = tpu.memref_slice %arg2[%add3A_1, %dma_start3A] : memref<64x2048xf32, #tpu.memory_space<hbm>> -> memref<1x2048xf32, #tpu.memory_space<hbm>>
    %dma_start3A_3 = tpu.memref_squeeze %dma_start3A_2 : memref<1x2048xf32, #tpu.memory_space<hbm>> -> memref<2048xf32, #tpu.memory_space<hbm>>
    %dma_start3A_4 = arith.constant 0 : i32
    %dma_start3A_5 = tpu.memref_slice %arg2[%add3A_1, %dma_start3A_4] : memref<64x2048xf32, #tpu.memory_space<hbm>> -> memref<1x2048xf32, #tpu.memory_space<hbm>>
    %dma_start3A_6 = tpu.memref_squeeze %dma_start3A_5 : memref<1x2048xf32, #tpu.memory_space<hbm>> -> memref<2048xf32, #tpu.memory_space<hbm>>
    tpu.enqueue_dma source(%dma_start3A_6 : memref<2048xf32, #tpu.memory_space<hbm>>) target(%arg5 : memref<2048xf32, #tpu.memory_space<vmem>>) target_semaphore(%arg13 : memref<!tpu.dma_semaphore, #tpu.memory_space<semaphore_mem>>)
    %add3A_7 = arith.constant 1 : i32
    %add3A_8 = arith.addi %mul3A_0, %add3A_7 : i32
    %dma_start3A_9 = arith.constant 0 : i32
    %dma_start3A_10 = tpu.memref_slice %arg2[%add3A_8, %dma_start3A_9] : memref<64x2048xf32, #tpu.memory_space<hbm>> -> memref<1x2048xf32, #tpu.memory_space<hbm>>
    %dma_start3A_11 = tpu.memref_squeeze %dma_start3A_10 : memref<1x2048xf32, #tpu.memory_space<hbm>> -> memref<2048xf32, #tpu.memory_space<hbm>>
    %dma_start3A_12 = arith.constant 0 : i32
    %dma_start3A_13 = tpu.memref_slice %arg2[%add3A_8, %dma_start3A_12] : memref<64x2048xf32, #tpu.memory_space<hbm>> -> memref<1x2048xf32, #tpu.memory_space<hbm>>
    %dma_start3A_14 = tpu.memref_squeeze %dma_start3A_13 : memref<1x2048xf32, #tpu.memory_space<hbm>> -> memref<2048xf32, #tpu.memory_space<hbm>>
    tpu.enqueue_dma source(%dma_start3A_14 : memref<2048xf32, #tpu.memory_space<hbm>>) target(%arg6 : memref<2048xf32, #tpu.memory_space<vmem>>) target_semaphore(%arg14 : memref<!tpu.dma_semaphore, #tpu.memory_space<semaphore_mem>>)
    %add3A_15 = arith.constant 2 : i32
    %add3A_16 = arith.addi %mul3A_0, %add3A_15 : i32
    %dma_start3A_17 = arith.constant 0 : i32
    %dma_start3A_18 = tpu.memref_slice %arg2[%add3A_16, %dma_start3A_17] : memref<64x2048xf32, #tpu.memory_space<hbm>> -> memref<1x2048xf32, #tpu.memory_space<hbm>>
    %dma_start3A_19 = tpu.memref_squeeze %dma_start3A_18 : memref<1x2048xf32, #tpu.memory_space<hbm>> -> memref<2048xf32, #tpu.memory_space<hbm>>
    %dma_start3A_20 = arith.constant 0 : i32
    %dma_start3A_21 = tpu.memref_slice %arg2[%add3A_16, %dma_start3A_20] : memref<64x2048xf32, #tpu.memory_space<hbm>> -> memref<1x2048xf32, #tpu.memory_space<hbm>>
    %dma_start3A_22 = tpu.memref_squeeze %dma_start3A_21 : memref<1x2048xf32, #tpu.memory_space<hbm>> -> memref<2048xf32, #tpu.memory_space<hbm>>
    tpu.enqueue_dma source(%dma_start3A_22 : memref<2048xf32, #tpu.memory_space<hbm>>) target(%arg7 : memref<2048xf32, #tpu.memory_space<vmem>>) target_semaphore(%arg15 : memref<!tpu.dma_semaphore, #tpu.memory_space<semaphore_mem>>)
    %add3A_23 = arith.constant 3 : i32
    %add3A_24 = arith.addi %mul3A_0, %add3A_23 : i32
    %dma_start3A_25 = arith.constant 0 : i32
    %dma_start3A_26 = tpu.memref_slice %arg2[%add3A_24, %dma_start3A_25] : memref<64x2048xf32, #tpu.memory_space<hbm>> -> memref<1x2048xf32, #tpu.memory_space<hbm>>
    %dma_start3A_27 = tpu.memref_squeeze %dma_start3A_26 : memref<1x2048xf32, #tpu.memory_space<hbm>> -> memref<2048xf32, #tpu.memory_space<hbm>>
    %dma_start3A_28 = arith.constant 0 : i32
    %dma_start3A_29 = tpu.memref_slice %arg2[%add3A_24, %dma_start3A_28] : memref<64x2048xf32, #tpu.memory_space<hbm>> -> memref<1x2048xf32, #tpu.memory_space<hbm>>
    %dma_start3A_30 = tpu.memref_squeeze %dma_start3A_29 : memref<1x2048xf32, #tpu.memory_space<hbm>> -> memref<2048xf32, #tpu.memory_space<hbm>>
    tpu.enqueue_dma source(%dma_start3A_30 : memref<2048xf32, #tpu.memory_space<hbm>>) target(%arg8 : memref<2048xf32, #tpu.memory_space<vmem>>) target_semaphore(%arg16 : memref<!tpu.dma_semaphore, #tpu.memory_space<semaphore_mem>>)
    %dma_wait3A = arith.constant 0 : i32
    %dma_wait3A_31 = tpu.memref_slice %arg2[%add3A_1, %dma_wait3A] : memref<64x2048xf32, #tpu.memory_space<hbm>> -> memref<1x2048xf32, #tpu.memory_space<hbm>>
    %dma_wait3A_32 = tpu.memref_squeeze %dma_wait3A_31 : memref<1x2048xf32, #tpu.memory_space<hbm>> -> memref<2048xf32, #tpu.memory_space<hbm>>
    %dma_wait3A_33 = arith.constant 0 : i32
    %dma_wait3A_34 = tpu.memref_slice %arg2[%add3A_1, %dma_wait3A_33] : memref<64x2048xf32, #tpu.memory_space<hbm>> -> memref<1x2048xf32, #tpu.memory_space<hbm>>
    %dma_wait3A_35 = tpu.memref_squeeze %dma_wait3A_34 : memref<1x2048xf32, #tpu.memory_space<hbm>> -> memref<2048xf32, #tpu.memory_space<hbm>>
    tpu.wait_dma2 semaphore(%arg13 : memref<!tpu.dma_semaphore, #tpu.memory_space<semaphore_mem>>) src(%dma_wait3A_35 : memref<2048xf32, #tpu.memory_space<hbm>>) dst(%arg5 : memref<2048xf32, #tpu.memory_space<vmem>>)
    %broadcast_in_dim3A = arith.constant 0xFF800000 : f32
    %broadcast_in_dim3A_36 = vector.broadcast %broadcast_in_dim3A : f32 to vector<16xf32>
    %broadcast_in_dim3A_37 = arith.constant 0 : i32
    %broadcast_in_dim3A_38 = vector.broadcast %broadcast_in_dim3A_37 : i32 to vector<16xi32>
    %broadcast_in_dim3A_39 = arith.constant 0xFF800000 : f32
    %broadcast_in_dim3A_40 = vector.broadcast %broadcast_in_dim3A_39 : f32 to vector<16xf32>
    %broadcast_in_dim3A_41 = arith.constant 0 : i32
    %broadcast_in_dim3A_42 = vector.broadcast %broadcast_in_dim3A_41 : i32 to vector<16xi32>
    %broadcast_in_dim3A_43 = arith.constant 0xFF800000 : f32
    %broadcast_in_dim3A_44 = vector.broadcast %broadcast_in_dim3A_43 : f32 to vector<16xf32>
    %broadcast_in_dim3A_45 = arith.constant 0 : i32
    %broadcast_in_dim3A_46 = vector.broadcast %broadcast_in_dim3A_45 : i32 to vector<16xi32>
    %broadcast_in_dim3A_47 = arith.constant 0xFF800000 : f32
    %broadcast_in_dim3A_48 = vector.broadcast %broadcast_in_dim3A_47 : f32 to vector<16xf32>
    %broadcast_in_dim3A_49 = arith.constant 0 : i32
    %broadcast_in_dim3A_50 = vector.broadcast %broadcast_in_dim3A_49 : i32 to vector<16xi32>
    %scan3A = arith.constant 0 : i32
    %scan3A_51 = arith.constant 16 : i32
    %scan3A_52 = arith.addi %scan3A, %scan3A_51 : i32
    %scan3A_53 = arith.constant 1 : i32
    %scan3A_54:8 = scf.for %scan3A_850 = %scan3A to %scan3A_52 step %scan3A_53 iter_args(%scan3A_851 = %broadcast_in_dim3A_36, %scan3A_852 = %broadcast_in_dim3A_38, %scan3A_853 = %broadcast_in_dim3A_40, %scan3A_854 = %broadcast_in_dim3A_42, %scan3A_855 = %broadcast_in_dim3A_44, %scan3A_856 = %broadcast_in_dim3A_46, %scan3A_857 = %broadcast_in_dim3A_48, %scan3A_858 = %broadcast_in_dim3A_50) -> (vector<16xf32>, vector<16xi32>, vector<16xf32>, vector<16xi32>, vector<16xf32>, vector<16xi32>, vector<16xf32>, vector<16xi32>)  : i32 {
      %mul3A_859 = arith.constant 8 : i32
      %mul3A_860 = arith.muli %scan3A_850, %mul3A_859 : i32
      %add3A_861 = arith.constant 0 : i32
      %add3A_862 = arith.addi %mul3A_860, %add3A_861 : i32
      %mul3A_863 = arith.constant 16 : i32
      %mul3A_864 = arith.muli %add3A_862, %mul3A_863 : i32
      %get3A = arith.index_cast %mul3A_864 : i32 to index
      %get3A_865 = tpu.vector_load %arg5[%get3A] {strides = array<i32>} : memref<2048xf32, #tpu.memory_space<vmem>>, vector<16xf32>,
      %get3A_866 = vector.shape_cast %get3A_865 : vector<16xf32> to vector<16xf32>
      %gt3A_867 = arith.cmpf ogt, %get3A_866, %scan3A_851 : vector<16xf32>
      %select_n3A_868 = arith.select %gt3A_867, %get3A_866, %scan3A_851 : vector<16xi1>, vector<16xf32>
      %broadcast_in_dim3A_869 = vector.broadcast %add3A_862 : i32 to vector<16xi32>
      %select_n3A_870 = arith.select %gt3A_867, %broadcast_in_dim3A_869, %scan3A_852 : vector<16xi1>, vector<16xi32>
      %add3A_871 = arith.constant 1 : i32
      %add3A_872 = arith.addi %mul3A_860, %add3A_871 : i32
      %mul3A_873 = arith.constant 16 : i32
      %mul3A_874 = arith.muli %add3A_872, %mul3A_873 : i32
      %get3A_875 = arith.index_cast %mul3A_874 : i32 to index
      %get3A_876 = tpu.vector_load %arg5[%get3A_875] {strides = array<i32>} : memref<2048xf32, #tpu.memory_space<vmem>>, vector<16xf32>,
      %get3A_877 = vector.shape_cast %get3A_876 : vector<16xf32> to vector<16xf32>
      %gt3A_878 = arith.cmpf ogt, %get3A_877, %scan3A_853 : vector<16xf32>
      %select_n3A_879 = arith.select %gt3A_878, %get3A_877, %scan3A_853 : vector<16xi1>, vector<16xf32>
      %broadcast_in_dim3A_880 = vector.broadcast %add3A_872 : i32 to vector<16xi32>
      %select_n3A_881 = arith.select %gt3A_878, %broadcast_in_dim3A_880, %scan3A_854 : vector<16xi1>, vector<16xi32>
      %add3A_882 = arith.constant 2 : i32
      %add3A_883 = arith.addi %mul3A_860, %add3A_882 : i32
      %mul3A_884 = arith.constant 16 : i32
      %mul3A_885 = arith.muli %add3A_883, %mul3A_884 : i32
      %get3A_886 = arith.index_cast %mul3A_885 : i32 to index
      %get3A_887 = tpu.vector_load %arg5[%get3A_886] {strides = array<i32>} : memref<2048xf32, #tpu.memory_space<vmem>>, vector<16xf32>,
      %get3A_888 = vector.shape_cast %get3A_887 : vector<16xf32> to vector<16xf32>
      %gt3A_889 = arith.cmpf ogt, %get3A_888, %scan3A_855 : vector<16xf32>
      %select_n3A_890 = arith.select %gt3A_889, %get3A_888, %scan3A_855 : vector<16xi1>, vector<16xf32>
      %broadcast_in_dim3A_891 = vector.broadcast %add3A_883 : i32 to vector<16xi32>
      %select_n3A_892 = arith.select %gt3A_889, %broadcast_in_dim3A_891, %scan3A_856 : vector<16xi1>, vector<16xi32>
      %add3A_893 = arith.constant 3 : i32
      %add3A_894 = arith.addi %mul3A_860, %add3A_893 : i32
      %mul3A_895 = arith.constant 16 : i32
      %mul3A_896 = arith.muli %add3A_894, %mul3A_895 : i32
      %get3A_897 = arith.index_cast %mul3A_896 : i32 to index
      %get3A_898 = tpu.vector_load %arg5[%get3A_897] {strides = array<i32>} : memref<2048xf32, #tpu.memory_space<vmem>>, vector<16xf32>,
      %get3A_899 = vector.shape_cast %get3A_898 : vector<16xf32> to vector<16xf32>
      %gt3A_900 = arith.cmpf ogt, %get3A_899, %scan3A_857 : vector<16xf32>
      %select_n3A_901 = arith.select %gt3A_900, %get3A_899, %scan3A_857 : vector<16xi1>, vector<16xf32>
      %broadcast_in_dim3A_902 = vector.broadcast %add3A_894 : i32 to vector<16xi32>
      %select_n3A_903 = arith.select %gt3A_900, %broadcast_in_dim3A_902, %scan3A_858 : vector<16xi1>, vector<16xi32>
      %add3A_904 = arith.constant 4 : i32
      %add3A_905 = arith.addi %mul3A_860, %add3A_904 : i32
      %mul3A_906 = arith.constant 16 : i32
      %mul3A_907 = arith.muli %add3A_905, %mul3A_906 : i32
      %get3A_908 = arith.index_cast %mul3A_907 : i32 to index
      %get3A_909 = tpu.vector_load %arg5[%get3A_908] {strides = array<i32>} : memref<2048xf32, #tpu.memory_space<vmem>>, vector<16xf32>,
      %get3A_910 = vector.shape_cast %get3A_909 : vector<16xf32> to vector<16xf32>
      %gt3A_911 = arith.cmpf ogt, %get3A_910, %select_n3A_868 : vector<16xf32>
      %select_n3A_912 = arith.select %gt3A_911, %get3A_910, %select_n3A_868 : vector<16xi1>, vector<16xf32>
      %broadcast_in_dim3A_913 = vector.broadcast %add3A_905 : i32 to vector<16xi32>
      %select_n3A_914 = arith.select %gt3A_911, %broadcast_in_dim3A_913, %select_n3A_870 : vector<16xi1>, vector<16xi32>
      %add3A_915 = arith.constant 5 : i32
      %add3A_916 = arith.addi %mul3A_860, %add3A_915 : i32
      %mul3A_917 = arith.constant 16 : i32
      %mul3A_918 = arith.muli %add3A_916, %mul3A_917 : i32
      %get3A_919 = arith.index_cast %mul3A_918 : i32 to index
      %get3A_920 = tpu.vector_load %arg5[%get3A_919] {strides = array<i32>} : memref<2048xf32, #tpu.memory_space<vmem>>, vector<16xf32>,
      %get3A_921 = vector.shape_cast %get3A_920 : vector<16xf32> to vector<16xf32>
      %gt3A_922 = arith.cmpf ogt, %get3A_921, %select_n3A_879 : vector<16xf32>
      %select_n3A_923 = arith.select %gt3A_922, %get3A_921, %select_n3A_879 : vector<16xi1>, vector<16xf32>
      %broadcast_in_dim3A_924 = vector.broadcast %add3A_916 : i32 to vector<16xi32>
      %select_n3A_925 = arith.select %gt3A_922, %broadcast_in_dim3A_924, %select_n3A_881 : vector<16xi1>, vector<16xi32>
      %add3A_926 = arith.constant 6 : i32
      %add3A_927 = arith.addi %mul3A_860, %add3A_926 : i32
      %mul3A_928 = arith.constant 16 : i32
      %mul3A_929 = arith.muli %add3A_927, %mul3A_928 : i32
      %get3A_930 = arith.index_cast %mul3A_929 : i32 to index
      %get3A_931 = tpu.vector_load %arg5[%get3A_930] {strides = array<i32>} : memref<2048xf32, #tpu.memory_space<vmem>>, vector<16xf32>,
      %get3A_932 = vector.shape_cast %get3A_931 : vector<16xf32> to vector<16xf32>
      %gt3A_933 = arith.cmpf ogt, %get3A_932, %select_n3A_890 : vector<16xf32>
      %select_n3A_934 = arith.select %gt3A_933, %get3A_932, %select_n3A_890 : vector<16xi1>, vector<16xf32>
      %broadcast_in_dim3A_935 = vector.broadcast %add3A_927 : i32 to vector<16xi32>
      %select_n3A_936 = arith.select %gt3A_933, %broadcast_in_dim3A_935, %select_n3A_892 : vector<16xi1>, vector<16xi32>
      %add3A_937 = arith.constant 7 : i32
      %add3A_938 = arith.addi %mul3A_860, %add3A_937 : i32
      %mul3A_939 = arith.constant 16 : i32
      %mul3A_940 = arith.muli %add3A_938, %mul3A_939 : i32
      %get3A_941 = arith.index_cast %mul3A_940 : i32 to index
      %get3A_942 = tpu.vector_load %arg5[%get3A_941] {strides = array<i32>} : memref<2048xf32, #tpu.memory_space<vmem>>, vector<16xf32>,
      %get3A_943 = vector.shape_cast %get3A_942 : vector<16xf32> to vector<16xf32>
      %gt3A_944 = arith.cmpf ogt, %get3A_943, %select_n3A_901 : vector<16xf32>
      %select_n3A_945 = arith.select %gt3A_944, %get3A_943, %select_n3A_901 : vector<16xi1>, vector<16xf32>
      %broadcast_in_dim3A_946 = vector.broadcast %add3A_938 : i32 to vector<16xi32>
      %select_n3A_947 = arith.select %gt3A_944, %broadcast_in_dim3A_946, %select_n3A_903 : vector<16xi1>, vector<16xi32>
      scf.yield %select_n3A_912, %select_n3A_914, %select_n3A_923, %select_n3A_925, %select_n3A_934, %select_n3A_936, %select_n3A_945, %select_n3A_947 : vector<16xf32>, vector<16xi32>, vector<16xf32>, vector<16xi32>, vector<16xf32>, vector<16xi32>, vector<16xf32>, vector<16xi32>
    }
    %scan3A_55 = arith.constant 16 : i32
    %gt3A = arith.cmpf ogt, %scan3A_54#2, %scan3A_54#0 : vector<16xf32>
    %eq3A = arith.cmpf oeq, %scan3A_54#2, %scan3A_54#0 : vector<16xf32>
    %lt3A = arith.cmpi slt, %scan3A_54#3, %scan3A_54#1 : vector<16xi32>
    %and3A = arith.andi %eq3A, %lt3A : vector<16xi1>
    %or3A = arith.ori %gt3A, %and3A : vector<16xi1>
    %select_n3A = arith.select %or3A, %scan3A_54#2, %scan3A_54#0 : vector<16xi1>, vector<16xf32>
    %select_n3A_56 = arith.select %or3A, %scan3A_54#3, %scan3A_54#1 : vector<16xi1>, vector<16xi32>
    %gt3A_57 = arith.cmpf ogt, %scan3A_54#4, %select_n3A : vector<16xf32>
    %eq3A_58 = arith.cmpf oeq, %scan3A_54#4, %select_n3A : vector<16xf32>
    %lt3A_59 = arith.cmpi slt, %scan3A_54#5, %select_n3A_56 : vector<16xi32>
    %and3A_60 = arith.andi %eq3A_58, %lt3A_59 : vector<16xi1>
    %or3A_61 = arith.ori %gt3A_57, %and3A_60 : vector<16xi1>
    %select_n3A_62 = arith.select %or3A_61, %scan3A_54#4, %select_n3A : vector<16xi1>, vector<16xf32>
    %select_n3A_63 = arith.select %or3A_61, %scan3A_54#5, %select_n3A_56 : vector<16xi1>, vector<16xi32>
    %gt3A_64 = arith.cmpf ogt, %scan3A_54#6, %select_n3A_62 : vector<16xf32>
    %eq3A_65 = arith.cmpf oeq, %scan3A_54#6, %select_n3A_62 : vector<16xf32>
    %lt3A_66 = arith.cmpi slt, %scan3A_54#7, %select_n3A_63 : vector<16xi32>
    %and3A_67 = arith.andi %eq3A_65, %lt3A_66 : vector<16xi1>
    %or3A_68 = arith.ori %gt3A_64, %and3A_67 : vector<16xi1>
    %select_n3A_69 = arith.select %or3A_68, %scan3A_54#6, %select_n3A_62 : vector<16xi1>, vector<16xf32>
    %select_n3A_70 = arith.select %or3A_68, %scan3A_54#7, %select_n3A_63 : vector<16xi1>, vector<16xi32>
    %mul3A_71 = arith.constant 16 : i32
    %mul3A_72 = vector.broadcast %mul3A_71 : i32 to vector<16xi32>
    %mul3A_73 = arith.muli %select_n3A_70, %mul3A_72 : vector<16xi32>
    %add3A_74 = arith.addi %mul3A_73, %iota3A : vector<16xi32>
    %xor3A = arith.constant 8 : i32
    %xor3A_75 = vector.broadcast %xor3A : i32 to vector<16xi32>
    %xor3A_76 = arith.xori %iota3A, %xor3A_75 : vector<16xi32>
    %lt3A_77 = arith.constant 0 : i32
    %lt3A_78 = vector.broadcast %lt3A_77 : i32 to vector<16xi32>
    %lt3A_79 = arith.cmpi slt, %xor3A_76, %lt3A_78 : vector<16xi32>
    %add3A_80 = arith.constant 16 : i32
    %add3A_81 = vector.broadcast %add3A_80 : i32 to vector<16xi32>
    %add3A_82 = arith.addi %xor3A_76, %add3A_81 : vector<16xi32>
    %select_n3A_83 = arith.select %lt3A_79, %add3A_82, %xor3A_76 : vector<16xi1>, vector<16xi32>
    %broadcast_in_dim3A_84 = vector.shape_cast %select_n3A_83 : vector<16xi32> to vector<16x1xi32>
    %gather3A = vector.shape_cast %broadcast_in_dim3A_84 : vector<16x1xi32> to vector<16xi32>
    %gather3A_85 = tpu.dynamic_gather %select_n3A_69[%gather3A] in [0] : vector<16xf32>, vector<16xi32> -> vector<16xf32>
    %lt3A_86 = arith.constant 0 : i32
    %lt3A_87 = vector.broadcast %lt3A_86 : i32 to vector<16xi32>
    %lt3A_88 = arith.cmpi slt, %xor3A_76, %lt3A_87 : vector<16xi32>
    %add3A_89 = arith.constant 16 : i32
    %add3A_90 = vector.broadcast %add3A_89 : i32 to vector<16xi32>
    %add3A_91 = arith.addi %xor3A_76, %add3A_90 : vector<16xi32>
    %select_n3A_92 = arith.select %lt3A_88, %add3A_91, %xor3A_76 : vector<16xi1>, vector<16xi32>
    %broadcast_in_dim3A_93 = vector.shape_cast %select_n3A_92 : vector<16xi32> to vector<16x1xi32>
    %gather3A_94 = vector.shape_cast %broadcast_in_dim3A_93 : vector<16x1xi32> to vector<16xi32>
    %gather3A_95 = tpu.dynamic_gather %add3A_74[%gather3A_94] in [0] : vector<16xi32>, vector<16xi32> -> vector<16xi32>
    %gt3A_96 = arith.cmpf ogt, %gather3A_85, %select_n3A_69 : vector<16xf32>
    %eq3A_97 = arith.cmpf oeq, %gather3A_85, %select_n3A_69 : vector<16xf32>
    %lt3A_98 = arith.cmpi slt, %gather3A_95, %add3A_74 : vector<16xi32>
    %and3A_99 = arith.andi %eq3A_97, %lt3A_98 : vector<16xi1>
    %or3A_100 = arith.ori %gt3A_96, %and3A_99 : vector<16xi1>
    %select_n3A_101 = arith.select %or3A_100, %gather3A_85, %select_n3A_69 : vector<16xi1>, vector<16xf32>
    %select_n3A_102 = arith.select %or3A_100, %gather3A_95, %add3A_74 : vector<16xi1>, vector<16xi32>
    %xor3A_103 = arith.constant 4 : i32
    %xor3A_104 = vector.broadcast %xor3A_103 : i32 to vector<16xi32>
    %xor3A_105 = arith.xori %iota3A, %xor3A_104 : vector<16xi32>
    %lt3A_106 = arith.constant 0 : i32
    %lt3A_107 = vector.broadcast %lt3A_106 : i32 to vector<16xi32>
    %lt3A_108 = arith.cmpi slt, %xor3A_105, %lt3A_107 : vector<16xi32>
    %add3A_109 = arith.constant 16 : i32
    %add3A_110 = vector.broadcast %add3A_109 : i32 to vector<16xi32>
    %add3A_111 = arith.addi %xor3A_105, %add3A_110 : vector<16xi32>
    %select_n3A_112 = arith.select %lt3A_108, %add3A_111, %xor3A_105 : vector<16xi1>, vector<16xi32>
    %broadcast_in_dim3A_113 = vector.shape_cast %select_n3A_112 : vector<16xi32> to vector<16x1xi32>
    %gather3A_114 = vector.shape_cast %broadcast_in_dim3A_113 : vector<16x1xi32> to vector<16xi32>
    %gather3A_115 = tpu.dynamic_gather %select_n3A_101[%gather3A_114] in [0] : vector<16xf32>, vector<16xi32> -> vector<16xf32>
    %lt3A_116 = arith.constant 0 : i32
    %lt3A_117 = vector.broadcast %lt3A_116 : i32 to vector<16xi32>
    %lt3A_118 = arith.cmpi slt, %xor3A_105, %lt3A_117 : vector<16xi32>
    %add3A_119 = arith.constant 16 : i32
    %add3A_120 = vector.broadcast %add3A_119 : i32 to vector<16xi32>
    %add3A_121 = arith.addi %xor3A_105, %add3A_120 : vector<16xi32>
    %select_n3A_122 = arith.select %lt3A_118, %add3A_121, %xor3A_105 : vector<16xi1>, vector<16xi32>
    %broadcast_in_dim3A_123 = vector.shape_cast %select_n3A_122 : vector<16xi32> to vector<16x1xi32>
    %gather3A_124 = vector.shape_cast %broadcast_in_dim3A_123 : vector<16x1xi32> to vector<16xi32>
    %gather3A_125 = tpu.dynamic_gather %select_n3A_102[%gather3A_124] in [0] : vector<16xi32>, vector<16xi32> -> vector<16xi32>
    %gt3A_126 = arith.cmpf ogt, %gather3A_115, %select_n3A_101 : vector<16xf32>
    %eq3A_127 = arith.cmpf oeq, %gather3A_115, %select_n3A_101 : vector<16xf32>
    %lt3A_128 = arith.cmpi slt, %gather3A_125, %select_n3A_102 : vector<16xi32>
    %and3A_129 = arith.andi %eq3A_127, %lt3A_128 : vector<16xi1>
    %or3A_130 = arith.ori %gt3A_126, %and3A_129 : vector<16xi1>
    %select_n3A_131 = arith.select %or3A_130, %gather3A_115, %select_n3A_101 : vector<16xi1>, vector<16xf32>
    %select_n3A_132 = arith.select %or3A_130, %gather3A_125, %select_n3A_102 : vector<16xi1>, vector<16xi32>
    %xor3A_133 = arith.constant 2 : i32
    %xor3A_134 = vector.broadcast %xor3A_133 : i32 to vector<16xi32>
    %xor3A_135 = arith.xori %iota3A, %xor3A_134 : vector<16xi32>
    %lt3A_136 = arith.constant 0 : i32
    %lt3A_137 = vector.broadcast %lt3A_136 : i32 to vector<16xi32>
    %lt3A_138 = arith.cmpi slt, %xor3A_135, %lt3A_137 : vector<16xi32>
    %add3A_139 = arith.constant 16 : i32
    %add3A_140 = vector.broadcast %add3A_139 : i32 to vector<16xi32>
    %add3A_141 = arith.addi %xor3A_135, %add3A_140 : vector<16xi32>
    %select_n3A_142 = arith.select %lt3A_138, %add3A_141, %xor3A_135 : vector<16xi1>, vector<16xi32>
    %broadcast_in_dim3A_143 = vector.shape_cast %select_n3A_142 : vector<16xi32> to vector<16x1xi32>
    %gather3A_144 = vector.shape_cast %broadcast_in_dim3A_143 : vector<16x1xi32> to vector<16xi32>
    %gather3A_145 = tpu.dynamic_gather %select_n3A_131[%gather3A_144] in [0] : vector<16xf32>, vector<16xi32> -> vector<16xf32>
    %lt3A_146 = arith.constant 0 : i32
    %lt3A_147 = vector.broadcast %lt3A_146 : i32 to vector<16xi32>
    %lt3A_148 = arith.cmpi slt, %xor3A_135, %lt3A_147 : vector<16xi32>
    %add3A_149 = arith.constant 16 : i32
    %add3A_150 = vector.broadcast %add3A_149 : i32 to vector<16xi32>
    %add3A_151 = arith.addi %xor3A_135, %add3A_150 : vector<16xi32>
    %select_n3A_152 = arith.select %lt3A_148, %add3A_151, %xor3A_135 : vector<16xi1>, vector<16xi32>
    %broadcast_in_dim3A_153 = vector.shape_cast %select_n3A_152 : vector<16xi32> to vector<16x1xi32>
    %gather3A_154 = vector.shape_cast %broadcast_in_dim3A_153 : vector<16x1xi32> to vector<16xi32>
    %gather3A_155 = tpu.dynamic_gather %select_n3A_132[%gather3A_154] in [0] : vector<16xi32>, vector<16xi32> -> vector<16xi32>
    %gt3A_156 = arith.cmpf ogt, %gather3A_145, %select_n3A_131 : vector<16xf32>
    %eq3A_157 = arith.cmpf oeq, %gather3A_145, %select_n3A_131 : vector<16xf32>
    %lt3A_158 = arith.cmpi slt, %gather3A_155, %select_n3A_132 : vector<16xi32>
    %and3A_159 = arith.andi %eq3A_157, %lt3A_158 : vector<16xi1>
    %or3A_160 = arith.ori %gt3A_156, %and3A_159 : vector<16xi1>
    %select_n3A_161 = arith.select %or3A_160, %gather3A_145, %select_n3A_131 : vector<16xi1>, vector<16xf32>
    %select_n3A_162 = arith.select %or3A_160, %gather3A_155, %select_n3A_132 : vector<16xi1>, vector<16xi32>
    %xor3A_163 = arith.constant 1 : i32
    %xor3A_164 = vector.broadcast %xor3A_163 : i32 to vector<16xi32>
    %xor3A_165 = arith.xori %iota3A, %xor3A_164 : vector<16xi32>
    %lt3A_166 = arith.constant 0 : i32
    %lt3A_167 = vector.broadcast %lt3A_166 : i32 to vector<16xi32>
    %lt3A_168 = arith.cmpi slt, %xor3A_165, %lt3A_167 : vector<16xi32>
    %add3A_169 = arith.constant 16 : i32
    %add3A_170 = vector.broadcast %add3A_169 : i32 to vector<16xi32>
    %add3A_171 = arith.addi %xor3A_165, %add3A_170 : vector<16xi32>
    %select_n3A_172 = arith.select %lt3A_168, %add3A_171, %xor3A_165 : vector<16xi1>, vector<16xi32>
    %broadcast_in_dim3A_173 = vector.shape_cast %select_n3A_172 : vector<16xi32> to vector<16x1xi32>
    %gather3A_174 = vector.shape_cast %broadcast_in_dim3A_173 : vector<16x1xi32> to vector<16xi32>
    %gather3A_175 = tpu.dynamic_gather %select_n3A_161[%gather3A_174] in [0] : vector<16xf32>, vector<16xi32> -> vector<16xf32>
    %lt3A_176 = arith.constant 0 : i32
    %lt3A_177 = vector.broadcast %lt3A_176 : i32 to vector<16xi32>
    %lt3A_178 = arith.cmpi slt, %xor3A_165, %lt3A_177 : vector<16xi32>
    %add3A_179 = arith.constant 16 : i32
    %add3A_180 = vector.broadcast %add3A_179 : i32 to vector<16xi32>
    %add3A_181 = arith.addi %xor3A_165, %add3A_180 : vector<16xi32>
    %select_n3A_182 = arith.select %lt3A_178, %add3A_181, %xor3A_165 : vector<16xi1>, vector<16xi32>
    %broadcast_in_dim3A_183 = vector.shape_cast %select_n3A_182 : vector<16xi32> to vector<16x1xi32>
    %gather3A_184 = vector.shape_cast %broadcast_in_dim3A_183 : vector<16x1xi32> to vector<16xi32>
    %gather3A_185 = tpu.dynamic_gather %select_n3A_162[%gather3A_184] in [0] : vector<16xi32>, vector<16xi32> -> vector<16xi32>
    %gt3A_186 = arith.cmpf ogt, %gather3A_175, %select_n3A_161 : vector<16xf32>
    %eq3A_187 = arith.cmpf oeq, %gather3A_175, %select_n3A_161 : vector<16xf32>
    %lt3A_188 = arith.cmpi slt, %gather3A_185, %select_n3A_162 : vector<16xi32>
    %and3A_189 = arith.andi %eq3A_187, %lt3A_188 : vector<16xi1>
    %or3A_190 = arith.ori %gt3A_186, %and3A_189 : vector<16xi1>
    %select_n3A_191 = arith.select %or3A_190, %gather3A_175, %select_n3A_161 : vector<16xi1>, vector<16xf32>
    %select_n3A_192 = arith.select %or3A_190, %gather3A_185, %select_n3A_162 : vector<16xi1>, vector<16xi32>
    %slice3A = vector.extract_strided_slice %select_n3A_191 {offsets = [0], sizes = [1], strides = [1]} : vector<16xf32> to vector<1xf32>
    %squeeze3A = vector.extract %slice3A[0] : f32 from vector<1xf32>
    %slice3A_193 = vector.extract_strided_slice %select_n3A_192 {offsets = [0], sizes = [1], strides = [1]} : vector<16xi32> to vector<1xi32>
    %squeeze3A_194 = vector.extract %slice3A_193[0] : i32 from vector<1xi32>
    %add3A_195 = arith.constant 0 : i32
    %add3A_196 = arith.addi %mul3A_0, %add3A_195 : i32
    %mul3A_197 = arith.constant 2048 : i32
    %mul3A_198 = arith.muli %add3A_196, %mul3A_197 : i32
    %add3A_199 = arith.addi %mul3A_198, %squeeze3A_194 : i32
    %dma_start3A_200 = arith.constant 0 : i32
    %dma_start3A_201 = tpu.memref_slice %arg3[%add3A_199, %dma_start3A_200] : memref<131072x1024xf32, #tpu.memory_space<hbm>> -> memref<1x1024xf32, #tpu.memory_space<hbm>>
    %dma_start3A_202 = tpu.memref_squeeze %dma_start3A_201 : memref<1x1024xf32, #tpu.memory_space<hbm>> -> memref<1024xf32, #tpu.memory_space<hbm>>
    %dma_start3A_203 = arith.constant 0 : i32
    %dma_start3A_204 = tpu.memref_slice %arg3[%add3A_199, %dma_start3A_203] : memref<131072x1024xf32, #tpu.memory_space<hbm>> -> memref<1x1024xf32, #tpu.memory_space<hbm>>
    %dma_start3A_205 = tpu.memref_squeeze %dma_start3A_204 : memref<1x1024xf32, #tpu.memory_space<hbm>> -> memref<1024xf32, #tpu.memory_space<hbm>>
    tpu.enqueue_dma source(%dma_start3A_205 : memref<1024xf32, #tpu.memory_space<hbm>>) target(%arg9 : memref<1024xf32, #tpu.memory_space<vmem>>) target_semaphore(%arg13 : memref<!tpu.dma_semaphore, #tpu.memory_space<semaphore_mem>>)
    %dma_wait3A_206 = arith.constant 0 : i32
    %dma_wait3A_207 = tpu.memref_slice %arg2[%add3A_8, %dma_wait3A_206] : memref<64x2048xf32, #tpu.memory_space<hbm>> -> memref<1x2048xf32, #tpu.memory_space<hbm>>
    %dma_wait3A_208 = tpu.memref_squeeze %dma_wait3A_207 : memref<1x2048xf32, #tpu.memory_space<hbm>> -> memref<2048xf32, #tpu.memory_space<hbm>>
    %dma_wait3A_209 = arith.constant 0 : i32
    %dma_wait3A_210 = tpu.memref_slice %arg2[%add3A_8, %dma_wait3A_209] : memref<64x2048xf32, #tpu.memory_space<hbm>> -> memref<1x2048xf32, #tpu.memory_space<hbm>>
    %dma_wait3A_211 = tpu.memref_squeeze %dma_wait3A_210 : memref<1x2048xf32, #tpu.memory_space<hbm>> -> memref<2048xf32, #tpu.memory_space<hbm>>
    tpu.wait_dma2 semaphore(%arg14 : memref<!tpu.dma_semaphore, #tpu.memory_space<semaphore_mem>>) src(%dma_wait3A_211 : memref<2048xf32, #tpu.memory_space<hbm>>) dst(%arg6 : memref<2048xf32, #tpu.memory_space<vmem>>)
    %broadcast_in_dim3A_212 = arith.constant 0xFF800000 : f32
    %broadcast_in_dim3A_213 = vector.broadcast %broadcast_in_dim3A_212 : f32 to vector<16xf32>
    %broadcast_in_dim3A_214 = arith.constant 0 : i32
    %broadcast_in_dim3A_215 = vector.broadcast %broadcast_in_dim3A_214 : i32 to vector<16xi32>
    %broadcast_in_dim3A_216 = arith.constant 0xFF800000 : f32
    %broadcast_in_dim3A_217 = vector.broadcast %broadcast_in_dim3A_216 : f32 to vector<16xf32>
    %broadcast_in_dim3A_218 = arith.constant 0 : i32
    %broadcast_in_dim3A_219 = vector.broadcast %broadcast_in_dim3A_218 : i32 to vector<16xi32>
    %broadcast_in_dim3A_220 = arith.constant 0xFF800000 : f32
    %broadcast_in_dim3A_221 = vector.broadcast %broadcast_in_dim3A_220 : f32 to vector<16xf32>
    %broadcast_in_dim3A_222 = arith.constant 0 : i32
    %broadcast_in_dim3A_223 = vector.broadcast %broadcast_in_dim3A_222 : i32 to vector<16xi32>
    %broadcast_in_dim3A_224 = arith.constant 0xFF800000 : f32
    %broadcast_in_dim3A_225 = vector.broadcast %broadcast_in_dim3A_224 : f32 to vector<16xf32>
    %broadcast_in_dim3A_226 = arith.constant 0 : i32
    %broadcast_in_dim3A_227 = vector.broadcast %broadcast_in_dim3A_226 : i32 to vector<16xi32>
    %scan3A_228 = arith.constant 0 : i32
    %scan3A_229 = arith.constant 16 : i32
    %scan3A_230 = arith.addi %scan3A_228, %scan3A_229 : i32
    %scan3A_231 = arith.constant 1 : i32
    %scan3A_232:8 = scf.for %scan3A_850 = %scan3A_228 to %scan3A_230 step %scan3A_231 iter_args(%scan3A_851 = %broadcast_in_dim3A_213, %scan3A_852 = %broadcast_in_dim3A_215, %scan3A_853 = %broadcast_in_dim3A_217, %scan3A_854 = %broadcast_in_dim3A_219, %scan3A_855 = %broadcast_in_dim3A_221, %scan3A_856 = %broadcast_in_dim3A_223, %scan3A_857 = %broadcast_in_dim3A_225, %scan3A_858 = %broadcast_in_dim3A_227) -> (vector<16xf32>, vector<16xi32>, vector<16xf32>, vector<16xi32>, vector<16xf32>, vector<16xi32>, vector<16xf32>, vector<16xi32>)  : i32 {
      %mul3A_859 = arith.constant 8 : i32
      %mul3A_860 = arith.muli %scan3A_850, %mul3A_859 : i32
      %add3A_861 = arith.constant 0 : i32
      %add3A_862 = arith.addi %mul3A_860, %add3A_861 : i32
      %mul3A_863 = arith.constant 16 : i32
      %mul3A_864 = arith.muli %add3A_862, %mul3A_863 : i32
      %get3A = arith.index_cast %mul3A_864 : i32 to index
      %get3A_865 = tpu.vector_load %arg6[%get3A] {strides = array<i32>} : memref<2048xf32, #tpu.memory_space<vmem>>, vector<16xf32>,
      %get3A_866 = vector.shape_cast %get3A_865 : vector<16xf32> to vector<16xf32>
      %gt3A_867 = arith.cmpf ogt, %get3A_866, %scan3A_851 : vector<16xf32>
      %select_n3A_868 = arith.select %gt3A_867, %get3A_866, %scan3A_851 : vector<16xi1>, vector<16xf32>
      %broadcast_in_dim3A_869 = vector.broadcast %add3A_862 : i32 to vector<16xi32>
      %select_n3A_870 = arith.select %gt3A_867, %broadcast_in_dim3A_869, %scan3A_852 : vector<16xi1>, vector<16xi32>
      %add3A_871 = arith.constant 1 : i32
      %add3A_872 = arith.addi %mul3A_860, %add3A_871 : i32
      %mul3A_873 = arith.constant 16 : i32
      %mul3A_874 = arith.muli %add3A_872, %mul3A_873 : i32
      %get3A_875 = arith.index_cast %mul3A_874 : i32 to index
      %get3A_876 = tpu.vector_load %arg6[%get3A_875] {strides = array<i32>} : memref<2048xf32, #tpu.memory_space<vmem>>, vector<16xf32>,
      %get3A_877 = vector.shape_cast %get3A_876 : vector<16xf32> to vector<16xf32>
      %gt3A_878 = arith.cmpf ogt, %get3A_877, %scan3A_853 : vector<16xf32>
      %select_n3A_879 = arith.select %gt3A_878, %get3A_877, %scan3A_853 : vector<16xi1>, vector<16xf32>
      %broadcast_in_dim3A_880 = vector.broadcast %add3A_872 : i32 to vector<16xi32>
      %select_n3A_881 = arith.select %gt3A_878, %broadcast_in_dim3A_880, %scan3A_854 : vector<16xi1>, vector<16xi32>
      %add3A_882 = arith.constant 2 : i32
      %add3A_883 = arith.addi %mul3A_860, %add3A_882 : i32
      %mul3A_884 = arith.constant 16 : i32
      %mul3A_885 = arith.muli %add3A_883, %mul3A_884 : i32
      %get3A_886 = arith.index_cast %mul3A_885 : i32 to index
      %get3A_887 = tpu.vector_load %arg6[%get3A_886] {strides = array<i32>} : memref<2048xf32, #tpu.memory_space<vmem>>, vector<16xf32>,
      %get3A_888 = vector.shape_cast %get3A_887 : vector<16xf32> to vector<16xf32>
      %gt3A_889 = arith.cmpf ogt, %get3A_888, %scan3A_855 : vector<16xf32>
      %select_n3A_890 = arith.select %gt3A_889, %get3A_888, %scan3A_855 : vector<16xi1>, vector<16xf32>
      %broadcast_in_dim3A_891 = vector.broadcast %add3A_883 : i32 to vector<16xi32>
      %select_n3A_892 = arith.select %gt3A_889, %broadcast_in_dim3A_891, %scan3A_856 : vector<16xi1>, vector<16xi32>
      %add3A_893 = arith.constant 3 : i32
      %add3A_894 = arith.addi %mul3A_860, %add3A_893 : i32
      %mul3A_895 = arith.constant 16 : i32
      %mul3A_896 = arith.muli %add3A_894, %mul3A_895 : i32
      %get3A_897 = arith.index_cast %mul3A_896 : i32 to index
      %get3A_898 = tpu.vector_load %arg6[%get3A_897] {strides = array<i32>} : memref<2048xf32, #tpu.memory_space<vmem>>, vector<16xf32>,
      %get3A_899 = vector.shape_cast %get3A_898 : vector<16xf32> to vector<16xf32>
      %gt3A_900 = arith.cmpf ogt, %get3A_899, %scan3A_857 : vector<16xf32>
      %select_n3A_901 = arith.select %gt3A_900, %get3A_899, %scan3A_857 : vector<16xi1>, vector<16xf32>
      %broadcast_in_dim3A_902 = vector.broadcast %add3A_894 : i32 to vector<16xi32>
      %select_n3A_903 = arith.select %gt3A_900, %broadcast_in_dim3A_902, %scan3A_858 : vector<16xi1>, vector<16xi32>
      %add3A_904 = arith.constant 4 : i32
      %add3A_905 = arith.addi %mul3A_860, %add3A_904 : i32
      %mul3A_906 = arith.constant 16 : i32
      %mul3A_907 = arith.muli %add3A_905, %mul3A_906 : i32
      %get3A_908 = arith.index_cast %mul3A_907 : i32 to index
      %get3A_909 = tpu.vector_load %arg6[%get3A_908] {strides = array<i32>} : memref<2048xf32, #tpu.memory_space<vmem>>, vector<16xf32>,
      %get3A_910 = vector.shape_cast %get3A_909 : vector<16xf32> to vector<16xf32>
      %gt3A_911 = arith.cmpf ogt, %get3A_910, %select_n3A_868 : vector<16xf32>
      %select_n3A_912 = arith.select %gt3A_911, %get3A_910, %select_n3A_868 : vector<16xi1>, vector<16xf32>
      %broadcast_in_dim3A_913 = vector.broadcast %add3A_905 : i32 to vector<16xi32>
      %select_n3A_914 = arith.select %gt3A_911, %broadcast_in_dim3A_913, %select_n3A_870 : vector<16xi1>, vector<16xi32>
      %add3A_915 = arith.constant 5 : i32
      %add3A_916 = arith.addi %mul3A_860, %add3A_915 : i32
      %mul3A_917 = arith.constant 16 : i32
      %mul3A_918 = arith.muli %add3A_916, %mul3A_917 : i32
      %get3A_919 = arith.index_cast %mul3A_918 : i32 to index
      %get3A_920 = tpu.vector_load %arg6[%get3A_919] {strides = array<i32>} : memref<2048xf32, #tpu.memory_space<vmem>>, vector<16xf32>,
      %get3A_921 = vector.shape_cast %get3A_920 : vector<16xf32> to vector<16xf32>
      %gt3A_922 = arith.cmpf ogt, %get3A_921, %select_n3A_879 : vector<16xf32>
      %select_n3A_923 = arith.select %gt3A_922, %get3A_921, %select_n3A_879 : vector<16xi1>, vector<16xf32>
      %broadcast_in_dim3A_924 = vector.broadcast %add3A_916 : i32 to vector<16xi32>
      %select_n3A_925 = arith.select %gt3A_922, %broadcast_in_dim3A_924, %select_n3A_881 : vector<16xi1>, vector<16xi32>
      %add3A_926 = arith.constant 6 : i32
      %add3A_927 = arith.addi %mul3A_860, %add3A_926 : i32
      %mul3A_928 = arith.constant 16 : i32
      %mul3A_929 = arith.muli %add3A_927, %mul3A_928 : i32
      %get3A_930 = arith.index_cast %mul3A_929 : i32 to index
      %get3A_931 = tpu.vector_load %arg6[%get3A_930] {strides = array<i32>} : memref<2048xf32, #tpu.memory_space<vmem>>, vector<16xf32>,
      %get3A_932 = vector.shape_cast %get3A_931 : vector<16xf32> to vector<16xf32>
      %gt3A_933 = arith.cmpf ogt, %get3A_932, %select_n3A_890 : vector<16xf32>
      %select_n3A_934 = arith.select %gt3A_933, %get3A_932, %select_n3A_890 : vector<16xi1>, vector<16xf32>
      %broadcast_in_dim3A_935 = vector.broadcast %add3A_927 : i32 to vector<16xi32>
      %select_n3A_936 = arith.select %gt3A_933, %broadcast_in_dim3A_935, %select_n3A_892 : vector<16xi1>, vector<16xi32>
      %add3A_937 = arith.constant 7 : i32
      %add3A_938 = arith.addi %mul3A_860, %add3A_937 : i32
      %mul3A_939 = arith.constant 16 : i32
      %mul3A_940 = arith.muli %add3A_938, %mul3A_939 : i32
      %get3A_941 = arith.index_cast %mul3A_940 : i32 to index
      %get3A_942 = tpu.vector_load %arg6[%get3A_941] {strides = array<i32>} : memref<2048xf32, #tpu.memory_space<vmem>>, vector<16xf32>,
      %get3A_943 = vector.shape_cast %get3A_942 : vector<16xf32> to vector<16xf32>
      %gt3A_944 = arith.cmpf ogt, %get3A_943, %select_n3A_901 : vector<16xf32>
      %select_n3A_945 = arith.select %gt3A_944, %get3A_943, %select_n3A_901 : vector<16xi1>, vector<16xf32>
      %broadcast_in_dim3A_946 = vector.broadcast %add3A_938 : i32 to vector<16xi32>
      %select_n3A_947 = arith.select %gt3A_944, %broadcast_in_dim3A_946, %select_n3A_903 : vector<16xi1>, vector<16xi32>
      scf.yield %select_n3A_912, %select_n3A_914, %select_n3A_923, %select_n3A_925, %select_n3A_934, %select_n3A_936, %select_n3A_945, %select_n3A_947 : vector<16xf32>, vector<16xi32>, vector<16xf32>, vector<16xi32>, vector<16xf32>, vector<16xi32>, vector<16xf32>, vector<16xi32>
    }
    %scan3A_233 = arith.constant 16 : i32
    %gt3A_234 = arith.cmpf ogt, %scan3A_232#2, %scan3A_232#0 : vector<16xf32>
    %eq3A_235 = arith.cmpf oeq, %scan3A_232#2, %scan3A_232#0 : vector<16xf32>
    %lt3A_236 = arith.cmpi slt, %scan3A_232#3, %scan3A_232#1 : vector<16xi32>
    %and3A_237 = arith.andi %eq3A_235, %lt3A_236 : vector<16xi1>
    %or3A_238 = arith.ori %gt3A_234, %and3A_237 : vector<16xi1>
    %select_n3A_239 = arith.select %or3A_238, %scan3A_232#2, %scan3A_232#0 : vector<16xi1>, vector<16xf32>
    %select_n3A_240 = arith.select %or3A_238, %scan3A_232#3, %scan3A_232#1 : vector<16xi1>, vector<16xi32>
    %gt3A_241 = arith.cmpf ogt, %scan3A_232#4, %select_n3A_239 : vector<16xf32>
    %eq3A_242 = arith.cmpf oeq, %scan3A_232#4, %select_n3A_239 : vector<16xf32>
    %lt3A_243 = arith.cmpi slt, %scan3A_232#5, %select_n3A_240 : vector<16xi32>
    %and3A_244 = arith.andi %eq3A_242, %lt3A_243 : vector<16xi1>
    %or3A_245 = arith.ori %gt3A_241, %and3A_244 : vector<16xi1>
    %select_n3A_246 = arith.select %or3A_245, %scan3A_232#4, %select_n3A_239 : vector<16xi1>, vector<16xf32>
    %select_n3A_247 = arith.select %or3A_245, %scan3A_232#5, %select_n3A_240 : vector<16xi1>, vector<16xi32>
    %gt3A_248 = arith.cmpf ogt, %scan3A_232#6, %select_n3A_246 : vector<16xf32>
    %eq3A_249 = arith.cmpf oeq, %scan3A_232#6, %select_n3A_246 : vector<16xf32>
    %lt3A_250 = arith.cmpi slt, %scan3A_232#7, %select_n3A_247 : vector<16xi32>
    %and3A_251 = arith.andi %eq3A_249, %lt3A_250 : vector<16xi1>
    %or3A_252 = arith.ori %gt3A_248, %and3A_251 : vector<16xi1>
    %select_n3A_253 = arith.select %or3A_252, %scan3A_232#6, %select_n3A_246 : vector<16xi1>, vector<16xf32>
    %select_n3A_254 = arith.select %or3A_252, %scan3A_232#7, %select_n3A_247 : vector<16xi1>, vector<16xi32>
    %mul3A_255 = arith.constant 16 : i32
    %mul3A_256 = vector.broadcast %mul3A_255 : i32 to vector<16xi32>
    %mul3A_257 = arith.muli %select_n3A_254, %mul3A_256 : vector<16xi32>
    %add3A_258 = arith.addi %mul3A_257, %iota3A : vector<16xi32>
    %xor3A_259 = arith.constant 8 : i32
    %xor3A_260 = vector.broadcast %xor3A_259 : i32 to vector<16xi32>
    %xor3A_261 = arith.xori %iota3A, %xor3A_260 : vector<16xi32>
    %lt3A_262 = arith.constant 0 : i32
    %lt3A_263 = vector.broadcast %lt3A_262 : i32 to vector<16xi32>
    %lt3A_264 = arith.cmpi slt, %xor3A_261, %lt3A_263 : vector<16xi32>
    %add3A_265 = arith.constant 16 : i32
    %add3A_266 = vector.broadcast %add3A_265 : i32 to vector<16xi32>
    %add3A_267 = arith.addi %xor3A_261, %add3A_266 : vector<16xi32>
    %select_n3A_268 = arith.select %lt3A_264, %add3A_267, %xor3A_261 : vector<16xi1>, vector<16xi32>
    %broadcast_in_dim3A_269 = vector.shape_cast %select_n3A_268 : vector<16xi32> to vector<16x1xi32>
    %gather3A_270 = vector.shape_cast %broadcast_in_dim3A_269 : vector<16x1xi32> to vector<16xi32>
    %gather3A_271 = tpu.dynamic_gather %select_n3A_253[%gather3A_270] in [0] : vector<16xf32>, vector<16xi32> -> vector<16xf32>
    %lt3A_272 = arith.constant 0 : i32
    %lt3A_273 = vector.broadcast %lt3A_272 : i32 to vector<16xi32>
    %lt3A_274 = arith.cmpi slt, %xor3A_261, %lt3A_273 : vector<16xi32>
    %add3A_275 = arith.constant 16 : i32
    %add3A_276 = vector.broadcast %add3A_275 : i32 to vector<16xi32>
    %add3A_277 = arith.addi %xor3A_261, %add3A_276 : vector<16xi32>
    %select_n3A_278 = arith.select %lt3A_274, %add3A_277, %xor3A_261 : vector<16xi1>, vector<16xi32>
    %broadcast_in_dim3A_279 = vector.shape_cast %select_n3A_278 : vector<16xi32> to vector<16x1xi32>
    %gather3A_280 = vector.shape_cast %broadcast_in_dim3A_279 : vector<16x1xi32> to vector<16xi32>
    %gather3A_281 = tpu.dynamic_gather %add3A_258[%gather3A_280] in [0] : vector<16xi32>, vector<16xi32> -> vector<16xi32>
    %gt3A_282 = arith.cmpf ogt, %gather3A_271, %select_n3A_253 : vector<16xf32>
    %eq3A_283 = arith.cmpf oeq, %gather3A_271, %select_n3A_253 : vector<16xf32>
    %lt3A_284 = arith.cmpi slt, %gather3A_281, %add3A_258 : vector<16xi32>
    %and3A_285 = arith.andi %eq3A_283, %lt3A_284 : vector<16xi1>
    %or3A_286 = arith.ori %gt3A_282, %and3A_285 : vector<16xi1>
    %select_n3A_287 = arith.select %or3A_286, %gather3A_271, %select_n3A_253 : vector<16xi1>, vector<16xf32>
    %select_n3A_288 = arith.select %or3A_286, %gather3A_281, %add3A_258 : vector<16xi1>, vector<16xi32>
    %xor3A_289 = arith.constant 4 : i32
    %xor3A_290 = vector.broadcast %xor3A_289 : i32 to vector<16xi32>
    %xor3A_291 = arith.xori %iota3A, %xor3A_290 : vector<16xi32>
    %lt3A_292 = arith.constant 0 : i32
    %lt3A_293 = vector.broadcast %lt3A_292 : i32 to vector<16xi32>
    %lt3A_294 = arith.cmpi slt, %xor3A_291, %lt3A_293 : vector<16xi32>
    %add3A_295 = arith.constant 16 : i32
    %add3A_296 = vector.broadcast %add3A_295 : i32 to vector<16xi32>
    %add3A_297 = arith.addi %xor3A_291, %add3A_296 : vector<16xi32>
    %select_n3A_298 = arith.select %lt3A_294, %add3A_297, %xor3A_291 : vector<16xi1>, vector<16xi32>
    %broadcast_in_dim3A_299 = vector.shape_cast %select_n3A_298 : vector<16xi32> to vector<16x1xi32>
    %gather3A_300 = vector.shape_cast %broadcast_in_dim3A_299 : vector<16x1xi32> to vector<16xi32>
    %gather3A_301 = tpu.dynamic_gather %select_n3A_287[%gather3A_300] in [0] : vector<16xf32>, vector<16xi32> -> vector<16xf32>
    %lt3A_302 = arith.constant 0 : i32
    %lt3A_303 = vector.broadcast %lt3A_302 : i32 to vector<16xi32>
    %lt3A_304 = arith.cmpi slt, %xor3A_291, %lt3A_303 : vector<16xi32>
    %add3A_305 = arith.constant 16 : i32
    %add3A_306 = vector.broadcast %add3A_305 : i32 to vector<16xi32>
    %add3A_307 = arith.addi %xor3A_291, %add3A_306 : vector<16xi32>
    %select_n3A_308 = arith.select %lt3A_304, %add3A_307, %xor3A_291 : vector<16xi1>, vector<16xi32>
    %broadcast_in_dim3A_309 = vector.shape_cast %select_n3A_308 : vector<16xi32> to vector<16x1xi32>
    %gather3A_310 = vector.shape_cast %broadcast_in_dim3A_309 : vector<16x1xi32> to vector<16xi32>
    %gather3A_311 = tpu.dynamic_gather %select_n3A_288[%gather3A_310] in [0] : vector<16xi32>, vector<16xi32> -> vector<16xi32>
    %gt3A_312 = arith.cmpf ogt, %gather3A_301, %select_n3A_287 : vector<16xf32>
    %eq3A_313 = arith.cmpf oeq, %gather3A_301, %select_n3A_287 : vector<16xf32>
    %lt3A_314 = arith.cmpi slt, %gather3A_311, %select_n3A_288 : vector<16xi32>
    %and3A_315 = arith.andi %eq3A_313, %lt3A_314 : vector<16xi1>
    %or3A_316 = arith.ori %gt3A_312, %and3A_315 : vector<16xi1>
    %select_n3A_317 = arith.select %or3A_316, %gather3A_301, %select_n3A_287 : vector<16xi1>, vector<16xf32>
    %select_n3A_318 = arith.select %or3A_316, %gather3A_311, %select_n3A_288 : vector<16xi1>, vector<16xi32>
    %xor3A_319 = arith.constant 2 : i32
    %xor3A_320 = vector.broadcast %xor3A_319 : i32 to vector<16xi32>
    %xor3A_321 = arith.xori %iota3A, %xor3A_320 : vector<16xi32>
    %lt3A_322 = arith.constant 0 : i32
    %lt3A_323 = vector.broadcast %lt3A_322 : i32 to vector<16xi32>
    %lt3A_324 = arith.cmpi slt, %xor3A_321, %lt3A_323 : vector<16xi32>
    %add3A_325 = arith.constant 16 : i32
    %add3A_326 = vector.broadcast %add3A_325 : i32 to vector<16xi32>
    %add3A_327 = arith.addi %xor3A_321, %add3A_326 : vector<16xi32>
    %select_n3A_328 = arith.select %lt3A_324, %add3A_327, %xor3A_321 : vector<16xi1>, vector<16xi32>
    %broadcast_in_dim3A_329 = vector.shape_cast %select_n3A_328 : vector<16xi32> to vector<16x1xi32>
    %gather3A_330 = vector.shape_cast %broadcast_in_dim3A_329 : vector<16x1xi32> to vector<16xi32>
    %gather3A_331 = tpu.dynamic_gather %select_n3A_317[%gather3A_330] in [0] : vector<16xf32>, vector<16xi32> -> vector<16xf32>
    %lt3A_332 = arith.constant 0 : i32
    %lt3A_333 = vector.broadcast %lt3A_332 : i32 to vector<16xi32>
    %lt3A_334 = arith.cmpi slt, %xor3A_321, %lt3A_333 : vector<16xi32>
    %add3A_335 = arith.constant 16 : i32
    %add3A_336 = vector.broadcast %add3A_335 : i32 to vector<16xi32>
    %add3A_337 = arith.addi %xor3A_321, %add3A_336 : vector<16xi32>
    %select_n3A_338 = arith.select %lt3A_334, %add3A_337, %xor3A_321 : vector<16xi1>, vector<16xi32>
    %broadcast_in_dim3A_339 = vector.shape_cast %select_n3A_338 : vector<16xi32> to vector<16x1xi32>
    %gather3A_340 = vector.shape_cast %broadcast_in_dim3A_339 : vector<16x1xi32> to vector<16xi32>
    %gather3A_341 = tpu.dynamic_gather %select_n3A_318[%gather3A_340] in [0] : vector<16xi32>, vector<16xi32> -> vector<16xi32>
    %gt3A_342 = arith.cmpf ogt, %gather3A_331, %select_n3A_317 : vector<16xf32>
    %eq3A_343 = arith.cmpf oeq, %gather3A_331, %select_n3A_317 : vector<16xf32>
    %lt3A_344 = arith.cmpi slt, %gather3A_341, %select_n3A_318 : vector<16xi32>
    %and3A_345 = arith.andi %eq3A_343, %lt3A_344 : vector<16xi1>
    %or3A_346 = arith.ori %gt3A_342, %and3A_345 : vector<16xi1>
    %select_n3A_347 = arith.select %or3A_346, %gather3A_331, %select_n3A_317 : vector<16xi1>, vector<16xf32>
    %select_n3A_348 = arith.select %or3A_346, %gather3A_341, %select_n3A_318 : vector<16xi1>, vector<16xi32>
    %xor3A_349 = arith.constant 1 : i32
    %xor3A_350 = vector.broadcast %xor3A_349 : i32 to vector<16xi32>
    %xor3A_351 = arith.xori %iota3A, %xor3A_350 : vector<16xi32>
    %lt3A_352 = arith.constant 0 : i32
    %lt3A_353 = vector.broadcast %lt3A_352 : i32 to vector<16xi32>
    %lt3A_354 = arith.cmpi slt, %xor3A_351, %lt3A_353 : vector<16xi32>
    %add3A_355 = arith.constant 16 : i32
    %add3A_356 = vector.broadcast %add3A_355 : i32 to vector<16xi32>
    %add3A_357 = arith.addi %xor3A_351, %add3A_356 : vector<16xi32>
    %select_n3A_358 = arith.select %lt3A_354, %add3A_357, %xor3A_351 : vector<16xi1>, vector<16xi32>
    %broadcast_in_dim3A_359 = vector.shape_cast %select_n3A_358 : vector<16xi32> to vector<16x1xi32>
    %gather3A_360 = vector.shape_cast %broadcast_in_dim3A_359 : vector<16x1xi32> to vector<16xi32>
    %gather3A_361 = tpu.dynamic_gather %select_n3A_347[%gather3A_360] in [0] : vector<16xf32>, vector<16xi32> -> vector<16xf32>
    %lt3A_362 = arith.constant 0 : i32
    %lt3A_363 = vector.broadcast %lt3A_362 : i32 to vector<16xi32>
    %lt3A_364 = arith.cmpi slt, %xor3A_351, %lt3A_363 : vector<16xi32>
    %add3A_365 = arith.constant 16 : i32
    %add3A_366 = vector.broadcast %add3A_365 : i32 to vector<16xi32>
    %add3A_367 = arith.addi %xor3A_351, %add3A_366 : vector<16xi32>
    %select_n3A_368 = arith.select %lt3A_364, %add3A_367, %xor3A_351 : vector<16xi1>, vector<16xi32>
    %broadcast_in_dim3A_369 = vector.shape_cast %select_n3A_368 : vector<16xi32> to vector<16x1xi32>
    %gather3A_370 = vector.shape_cast %broadcast_in_dim3A_369 : vector<16x1xi32> to vector<16xi32>
    %gather3A_371 = tpu.dynamic_gather %select_n3A_348[%gather3A_370] in [0] : vector<16xi32>, vector<16xi32> -> vector<16xi32>
    %gt3A_372 = arith.cmpf ogt, %gather3A_361, %select_n3A_347 : vector<16xf32>
    %eq3A_373 = arith.cmpf oeq, %gather3A_361, %select_n3A_347 : vector<16xf32>
    %lt3A_374 = arith.cmpi slt, %gather3A_371, %select_n3A_348 : vector<16xi32>
    %and3A_375 = arith.andi %eq3A_373, %lt3A_374 : vector<16xi1>
    %or3A_376 = arith.ori %gt3A_372, %and3A_375 : vector<16xi1>
    %select_n3A_377 = arith.select %or3A_376, %gather3A_361, %select_n3A_347 : vector<16xi1>, vector<16xf32>
    %select_n3A_378 = arith.select %or3A_376, %gather3A_371, %select_n3A_348 : vector<16xi1>, vector<16xi32>
    %slice3A_379 = vector.extract_strided_slice %select_n3A_377 {offsets = [0], sizes = [1], strides = [1]} : vector<16xf32> to vector<1xf32>
    %squeeze3A_380 = vector.extract %slice3A_379[0] : f32 from vector<1xf32>
    %slice3A_381 = vector.extract_strided_slice %select_n3A_378 {offsets = [0], sizes = [1], strides = [1]} : vector<16xi32> to vector<1xi32>
    %squeeze3A_382 = vector.extract %slice3A_381[0] : i32 from vector<1xi32>
    %add3A_383 = arith.constant 1 : i32
    %add3A_384 = arith.addi %mul3A_0, %add3A_383 : i32
    %mul3A_385 = arith.constant 2048 : i32
    %mul3A_386 = arith.muli %add3A_384, %mul3A_385 : i32
    %add3A_387 = arith.addi %mul3A_386, %squeeze3A_382 : i32
    %dma_start3A_388 = arith.constant 0 : i32
    %dma_start3A_389 = tpu.memref_slice %arg3[%add3A_387, %dma_start3A_388] : memref<131072x1024xf32, #tpu.memory_space<hbm>> -> memref<1x1024xf32, #tpu.memory_space<hbm>>
    %dma_start3A_390 = tpu.memref_squeeze %dma_start3A_389 : memref<1x1024xf32, #tpu.memory_space<hbm>> -> memref<1024xf32, #tpu.memory_space<hbm>>
    %dma_start3A_391 = arith.constant 0 : i32
    %dma_start3A_392 = tpu.memref_slice %arg3[%add3A_387, %dma_start3A_391] : memref<131072x1024xf32, #tpu.memory_space<hbm>> -> memref<1x1024xf32, #tpu.memory_space<hbm>>
    %dma_start3A_393 = tpu.memref_squeeze %dma_start3A_392 : memref<1x1024xf32, #tpu.memory_space<hbm>> -> memref<1024xf32, #tpu.memory_space<hbm>>
    tpu.enqueue_dma source(%dma_start3A_393 : memref<1024xf32, #tpu.memory_space<hbm>>) target(%arg10 : memref<1024xf32, #tpu.memory_space<vmem>>) target_semaphore(%arg14 : memref<!tpu.dma_semaphore, #tpu.memory_space<semaphore_mem>>)
    %dma_wait3A_394 = arith.constant 0 : i32
    %dma_wait3A_395 = tpu.memref_slice %arg2[%add3A_16, %dma_wait3A_394] : memref<64x2048xf32, #tpu.memory_space<hbm>> -> memref<1x2048xf32, #tpu.memory_space<hbm>>
    %dma_wait3A_396 = tpu.memref_squeeze %dma_wait3A_395 : memref<1x2048xf32, #tpu.memory_space<hbm>> -> memref<2048xf32, #tpu.memory_space<hbm>>
    %dma_wait3A_397 = arith.constant 0 : i32
    %dma_wait3A_398 = tpu.memref_slice %arg2[%add3A_16, %dma_wait3A_397] : memref<64x2048xf32, #tpu.memory_space<hbm>> -> memref<1x2048xf32, #tpu.memory_space<hbm>>
    %dma_wait3A_399 = tpu.memref_squeeze %dma_wait3A_398 : memref<1x2048xf32, #tpu.memory_space<hbm>> -> memref<2048xf32, #tpu.memory_space<hbm>>
    tpu.wait_dma2 semaphore(%arg15 : memref<!tpu.dma_semaphore, #tpu.memory_space<semaphore_mem>>) src(%dma_wait3A_399 : memref<2048xf32, #tpu.memory_space<hbm>>) dst(%arg7 : memref<2048xf32, #tpu.memory_space<vmem>>)
    %broadcast_in_dim3A_400 = arith.constant 0xFF800000 : f32
    %broadcast_in_dim3A_401 = vector.broadcast %broadcast_in_dim3A_400 : f32 to vector<16xf32>
    %broadcast_in_dim3A_402 = arith.constant 0 : i32
    %broadcast_in_dim3A_403 = vector.broadcast %broadcast_in_dim3A_402 : i32 to vector<16xi32>
    %broadcast_in_dim3A_404 = arith.constant 0xFF800000 : f32
    %broadcast_in_dim3A_405 = vector.broadcast %broadcast_in_dim3A_404 : f32 to vector<16xf32>
    %broadcast_in_dim3A_406 = arith.constant 0 : i32
    %broadcast_in_dim3A_407 = vector.broadcast %broadcast_in_dim3A_406 : i32 to vector<16xi32>
    %broadcast_in_dim3A_408 = arith.constant 0xFF800000 : f32
    %broadcast_in_dim3A_409 = vector.broadcast %broadcast_in_dim3A_408 : f32 to vector<16xf32>
    %broadcast_in_dim3A_410 = arith.constant 0 : i32
    %broadcast_in_dim3A_411 = vector.broadcast %broadcast_in_dim3A_410 : i32 to vector<16xi32>
    %broadcast_in_dim3A_412 = arith.constant 0xFF800000 : f32
    %broadcast_in_dim3A_413 = vector.broadcast %broadcast_in_dim3A_412 : f32 to vector<16xf32>
    %broadcast_in_dim3A_414 = arith.constant 0 : i32
    %broadcast_in_dim3A_415 = vector.broadcast %broadcast_in_dim3A_414 : i32 to vector<16xi32>
    %scan3A_416 = arith.constant 0 : i32
    %scan3A_417 = arith.constant 16 : i32
    %scan3A_418 = arith.addi %scan3A_416, %scan3A_417 : i32
    %scan3A_419 = arith.constant 1 : i32
    %scan3A_420:8 = scf.for %scan3A_850 = %scan3A_416 to %scan3A_418 step %scan3A_419 iter_args(%scan3A_851 = %broadcast_in_dim3A_401, %scan3A_852 = %broadcast_in_dim3A_403, %scan3A_853 = %broadcast_in_dim3A_405, %scan3A_854 = %broadcast_in_dim3A_407, %scan3A_855 = %broadcast_in_dim3A_409, %scan3A_856 = %broadcast_in_dim3A_411, %scan3A_857 = %broadcast_in_dim3A_413, %scan3A_858 = %broadcast_in_dim3A_415) -> (vector<16xf32>, vector<16xi32>, vector<16xf32>, vector<16xi32>, vector<16xf32>, vector<16xi32>, vector<16xf32>, vector<16xi32>)  : i32 {
      %mul3A_859 = arith.constant 8 : i32
      %mul3A_860 = arith.muli %scan3A_850, %mul3A_859 : i32
      %add3A_861 = arith.constant 0 : i32
      %add3A_862 = arith.addi %mul3A_860, %add3A_861 : i32
      %mul3A_863 = arith.constant 16 : i32
      %mul3A_864 = arith.muli %add3A_862, %mul3A_863 : i32
      %get3A = arith.index_cast %mul3A_864 : i32 to index
      %get3A_865 = tpu.vector_load %arg7[%get3A] {strides = array<i32>} : memref<2048xf32, #tpu.memory_space<vmem>>, vector<16xf32>,
      %get3A_866 = vector.shape_cast %get3A_865 : vector<16xf32> to vector<16xf32>
      %gt3A_867 = arith.cmpf ogt, %get3A_866, %scan3A_851 : vector<16xf32>
      %select_n3A_868 = arith.select %gt3A_867, %get3A_866, %scan3A_851 : vector<16xi1>, vector<16xf32>
      %broadcast_in_dim3A_869 = vector.broadcast %add3A_862 : i32 to vector<16xi32>
      %select_n3A_870 = arith.select %gt3A_867, %broadcast_in_dim3A_869, %scan3A_852 : vector<16xi1>, vector<16xi32>
      %add3A_871 = arith.constant 1 : i32
      %add3A_872 = arith.addi %mul3A_860, %add3A_871 : i32
      %mul3A_873 = arith.constant 16 : i32
      %mul3A_874 = arith.muli %add3A_872, %mul3A_873 : i32
      %get3A_875 = arith.index_cast %mul3A_874 : i32 to index
      %get3A_876 = tpu.vector_load %arg7[%get3A_875] {strides = array<i32>} : memref<2048xf32, #tpu.memory_space<vmem>>, vector<16xf32>,
      %get3A_877 = vector.shape_cast %get3A_876 : vector<16xf32> to vector<16xf32>
      %gt3A_878 = arith.cmpf ogt, %get3A_877, %scan3A_853 : vector<16xf32>
      %select_n3A_879 = arith.select %gt3A_878, %get3A_877, %scan3A_853 : vector<16xi1>, vector<16xf32>
      %broadcast_in_dim3A_880 = vector.broadcast %add3A_872 : i32 to vector<16xi32>
      %select_n3A_881 = arith.select %gt3A_878, %broadcast_in_dim3A_880, %scan3A_854 : vector<16xi1>, vector<16xi32>
      %add3A_882 = arith.constant 2 : i32
      %add3A_883 = arith.addi %mul3A_860, %add3A_882 : i32
      %mul3A_884 = arith.constant 16 : i32
      %mul3A_885 = arith.muli %add3A_883, %mul3A_884 : i32
      %get3A_886 = arith.index_cast %mul3A_885 : i32 to index
      %get3A_887 = tpu.vector_load %arg7[%get3A_886] {strides = array<i32>} : memref<2048xf32, #tpu.memory_space<vmem>>, vector<16xf32>,
      %get3A_888 = vector.shape_cast %get3A_887 : vector<16xf32> to vector<16xf32>
      %gt3A_889 = arith.cmpf ogt, %get3A_888, %scan3A_855 : vector<16xf32>
      %select_n3A_890 = arith.select %gt3A_889, %get3A_888, %scan3A_855 : vector<16xi1>, vector<16xf32>
      %broadcast_in_dim3A_891 = vector.broadcast %add3A_883 : i32 to vector<16xi32>
      %select_n3A_892 = arith.select %gt3A_889, %broadcast_in_dim3A_891, %scan3A_856 : vector<16xi1>, vector<16xi32>
      %add3A_893 = arith.constant 3 : i32
      %add3A_894 = arith.addi %mul3A_860, %add3A_893 : i32
      %mul3A_895 = arith.constant 16 : i32
      %mul3A_896 = arith.muli %add3A_894, %mul3A_895 : i32
      %get3A_897 = arith.index_cast %mul3A_896 : i32 to index
      %get3A_898 = tpu.vector_load %arg7[%get3A_897] {strides = array<i32>} : memref<2048xf32, #tpu.memory_space<vmem>>, vector<16xf32>,
      %get3A_899 = vector.shape_cast %get3A_898 : vector<16xf32> to vector<16xf32>
      %gt3A_900 = arith.cmpf ogt, %get3A_899, %scan3A_857 : vector<16xf32>
      %select_n3A_901 = arith.select %gt3A_900, %get3A_899, %scan3A_857 : vector<16xi1>, vector<16xf32>
      %broadcast_in_dim3A_902 = vector.broadcast %add3A_894 : i32 to vector<16xi32>
      %select_n3A_903 = arith.select %gt3A_900, %broadcast_in_dim3A_902, %scan3A_858 : vector<16xi1>, vector<16xi32>
      %add3A_904 = arith.constant 4 : i32
      %add3A_905 = arith.addi %mul3A_860, %add3A_904 : i32
      %mul3A_906 = arith.constant 16 : i32
      %mul3A_907 = arith.muli %add3A_905, %mul3A_906 : i32
      %get3A_908 = arith.index_cast %mul3A_907 : i32 to index
      %get3A_909 = tpu.vector_load %arg7[%get3A_908] {strides = array<i32>} : memref<2048xf32, #tpu.memory_space<vmem>>, vector<16xf32>,
      %get3A_910 = vector.shape_cast %get3A_909 : vector<16xf32> to vector<16xf32>
      %gt3A_911 = arith.cmpf ogt, %get3A_910, %select_n3A_868 : vector<16xf32>
      %select_n3A_912 = arith.select %gt3A_911, %get3A_910, %select_n3A_868 : vector<16xi1>, vector<16xf32>
      %broadcast_in_dim3A_913 = vector.broadcast %add3A_905 : i32 to vector<16xi32>
      %select_n3A_914 = arith.select %gt3A_911, %broadcast_in_dim3A_913, %select_n3A_870 : vector<16xi1>, vector<16xi32>
      %add3A_915 = arith.constant 5 : i32
      %add3A_916 = arith.addi %mul3A_860, %add3A_915 : i32
      %mul3A_917 = arith.constant 16 : i32
      %mul3A_918 = arith.muli %add3A_916, %mul3A_917 : i32
      %get3A_919 = arith.index_cast %mul3A_918 : i32 to index
      %get3A_920 = tpu.vector_load %arg7[%get3A_919] {strides = array<i32>} : memref<2048xf32, #tpu.memory_space<vmem>>, vector<16xf32>,
      %get3A_921 = vector.shape_cast %get3A_920 : vector<16xf32> to vector<16xf32>
      %gt3A_922 = arith.cmpf ogt, %get3A_921, %select_n3A_879 : vector<16xf32>
      %select_n3A_923 = arith.select %gt3A_922, %get3A_921, %select_n3A_879 : vector<16xi1>, vector<16xf32>
      %broadcast_in_dim3A_924 = vector.broadcast %add3A_916 : i32 to vector<16xi32>
      %select_n3A_925 = arith.select %gt3A_922, %broadcast_in_dim3A_924, %select_n3A_881 : vector<16xi1>, vector<16xi32>
      %add3A_926 = arith.constant 6 : i32
      %add3A_927 = arith.addi %mul3A_860, %add3A_926 : i32
      %mul3A_928 = arith.constant 16 : i32
      %mul3A_929 = arith.muli %add3A_927, %mul3A_928 : i32
      %get3A_930 = arith.index_cast %mul3A_929 : i32 to index
      %get3A_931 = tpu.vector_load %arg7[%get3A_930] {strides = array<i32>} : memref<2048xf32, #tpu.memory_space<vmem>>, vector<16xf32>,
      %get3A_932 = vector.shape_cast %get3A_931 : vector<16xf32> to vector<16xf32>
      %gt3A_933 = arith.cmpf ogt, %get3A_932, %select_n3A_890 : vector<16xf32>
      %select_n3A_934 = arith.select %gt3A_933, %get3A_932, %select_n3A_890 : vector<16xi1>, vector<16xf32>
      %broadcast_in_dim3A_935 = vector.broadcast %add3A_927 : i32 to vector<16xi32>
      %select_n3A_936 = arith.select %gt3A_933, %broadcast_in_dim3A_935, %select_n3A_892 : vector<16xi1>, vector<16xi32>
      %add3A_937 = arith.constant 7 : i32
      %add3A_938 = arith.addi %mul3A_860, %add3A_937 : i32
      %mul3A_939 = arith.constant 16 : i32
      %mul3A_940 = arith.muli %add3A_938, %mul3A_939 : i32
      %get3A_941 = arith.index_cast %mul3A_940 : i32 to index
      %get3A_942 = tpu.vector_load %arg7[%get3A_941] {strides = array<i32>} : memref<2048xf32, #tpu.memory_space<vmem>>, vector<16xf32>,
      %get3A_943 = vector.shape_cast %get3A_942 : vector<16xf32> to vector<16xf32>
      %gt3A_944 = arith.cmpf ogt, %get3A_943, %select_n3A_901 : vector<16xf32>
      %select_n3A_945 = arith.select %gt3A_944, %get3A_943, %select_n3A_901 : vector<16xi1>, vector<16xf32>
      %broadcast_in_dim3A_946 = vector.broadcast %add3A_938 : i32 to vector<16xi32>
      %select_n3A_947 = arith.select %gt3A_944, %broadcast_in_dim3A_946, %select_n3A_903 : vector<16xi1>, vector<16xi32>
      scf.yield %select_n3A_912, %select_n3A_914, %select_n3A_923, %select_n3A_925, %select_n3A_934, %select_n3A_936, %select_n3A_945, %select_n3A_947 : vector<16xf32>, vector<16xi32>, vector<16xf32>, vector<16xi32>, vector<16xf32>, vector<16xi32>, vector<16xf32>, vector<16xi32>
    }
    %scan3A_421 = arith.constant 16 : i32
    %gt3A_422 = arith.cmpf ogt, %scan3A_420#2, %scan3A_420#0 : vector<16xf32>
    %eq3A_423 = arith.cmpf oeq, %scan3A_420#2, %scan3A_420#0 : vector<16xf32>
    %lt3A_424 = arith.cmpi slt, %scan3A_420#3, %scan3A_420#1 : vector<16xi32>
    %and3A_425 = arith.andi %eq3A_423, %lt3A_424 : vector<16xi1>
    %or3A_426 = arith.ori %gt3A_422, %and3A_425 : vector<16xi1>
    %select_n3A_427 = arith.select %or3A_426, %scan3A_420#2, %scan3A_420#0 : vector<16xi1>, vector<16xf32>
    %select_n3A_428 = arith.select %or3A_426, %scan3A_420#3, %scan3A_420#1 : vector<16xi1>, vector<16xi32>
    %gt3A_429 = arith.cmpf ogt, %scan3A_420#4, %select_n3A_427 : vector<16xf32>
    %eq3A_430 = arith.cmpf oeq, %scan3A_420#4, %select_n3A_427 : vector<16xf32>
    %lt3A_431 = arith.cmpi slt, %scan3A_420#5, %select_n3A_428 : vector<16xi32>
    %and3A_432 = arith.andi %eq3A_430, %lt3A_431 : vector<16xi1>
    %or3A_433 = arith.ori %gt3A_429, %and3A_432 : vector<16xi1>
    %select_n3A_434 = arith.select %or3A_433, %scan3A_420#4, %select_n3A_427 : vector<16xi1>, vector<16xf32>
    %select_n3A_435 = arith.select %or3A_433, %scan3A_420#5, %select_n3A_428 : vector<16xi1>, vector<16xi32>
    %gt3A_436 = arith.cmpf ogt, %scan3A_420#6, %select_n3A_434 : vector<16xf32>
    %eq3A_437 = arith.cmpf oeq, %scan3A_420#6, %select_n3A_434 : vector<16xf32>
    %lt3A_438 = arith.cmpi slt, %scan3A_420#7, %select_n3A_435 : vector<16xi32>
    %and3A_439 = arith.andi %eq3A_437, %lt3A_438 : vector<16xi1>
    %or3A_440 = arith.ori %gt3A_436, %and3A_439 : vector<16xi1>
    %select_n3A_441 = arith.select %or3A_440, %scan3A_420#6, %select_n3A_434 : vector<16xi1>, vector<16xf32>
    %select_n3A_442 = arith.select %or3A_440, %scan3A_420#7, %select_n3A_435 : vector<16xi1>, vector<16xi32>
    %mul3A_443 = arith.constant 16 : i32
    %mul3A_444 = vector.broadcast %mul3A_443 : i32 to vector<16xi32>
    %mul3A_445 = arith.muli %select_n3A_442, %mul3A_444 : vector<16xi32>
    %add3A_446 = arith.addi %mul3A_445, %iota3A : vector<16xi32>
    %xor3A_447 = arith.constant 8 : i32
    %xor3A_448 = vector.broadcast %xor3A_447 : i32 to vector<16xi32>
    %xor3A_449 = arith.xori %iota3A, %xor3A_448 : vector<16xi32>
    %lt3A_450 = arith.constant 0 : i32
    %lt3A_451 = vector.broadcast %lt3A_450 : i32 to vector<16xi32>
    %lt3A_452 = arith.cmpi slt, %xor3A_449, %lt3A_451 : vector<16xi32>
    %add3A_453 = arith.constant 16 : i32
    %add3A_454 = vector.broadcast %add3A_453 : i32 to vector<16xi32>
    %add3A_455 = arith.addi %xor3A_449, %add3A_454 : vector<16xi32>
    %select_n3A_456 = arith.select %lt3A_452, %add3A_455, %xor3A_449 : vector<16xi1>, vector<16xi32>
    %broadcast_in_dim3A_457 = vector.shape_cast %select_n3A_456 : vector<16xi32> to vector<16x1xi32>
    %gather3A_458 = vector.shape_cast %broadcast_in_dim3A_457 : vector<16x1xi32> to vector<16xi32>
    %gather3A_459 = tpu.dynamic_gather %select_n3A_441[%gather3A_458] in [0] : vector<16xf32>, vector<16xi32> -> vector<16xf32>
    %lt3A_460 = arith.constant 0 : i32
    %lt3A_461 = vector.broadcast %lt3A_460 : i32 to vector<16xi32>
    %lt3A_462 = arith.cmpi slt, %xor3A_449, %lt3A_461 : vector<16xi32>
    %add3A_463 = arith.constant 16 : i32
    %add3A_464 = vector.broadcast %add3A_463 : i32 to vector<16xi32>
    %add3A_465 = arith.addi %xor3A_449, %add3A_464 : vector<16xi32>
    %select_n3A_466 = arith.select %lt3A_462, %add3A_465, %xor3A_449 : vector<16xi1>, vector<16xi32>
    %broadcast_in_dim3A_467 = vector.shape_cast %select_n3A_466 : vector<16xi32> to vector<16x1xi32>
    %gather3A_468 = vector.shape_cast %broadcast_in_dim3A_467 : vector<16x1xi32> to vector<16xi32>
    %gather3A_469 = tpu.dynamic_gather %add3A_446[%gather3A_468] in [0] : vector<16xi32>, vector<16xi32> -> vector<16xi32>
    %gt3A_470 = arith.cmpf ogt, %gather3A_459, %select_n3A_441 : vector<16xf32>
    %eq3A_471 = arith.cmpf oeq, %gather3A_459, %select_n3A_441 : vector<16xf32>
    %lt3A_472 = arith.cmpi slt, %gather3A_469, %add3A_446 : vector<16xi32>
    %and3A_473 = arith.andi %eq3A_471, %lt3A_472 : vector<16xi1>
    %or3A_474 = arith.ori %gt3A_470, %and3A_473 : vector<16xi1>
    %select_n3A_475 = arith.select %or3A_474, %gather3A_459, %select_n3A_441 : vector<16xi1>, vector<16xf32>
    %select_n3A_476 = arith.select %or3A_474, %gather3A_469, %add3A_446 : vector<16xi1>, vector<16xi32>
    %xor3A_477 = arith.constant 4 : i32
    %xor3A_478 = vector.broadcast %xor3A_477 : i32 to vector<16xi32>
    %xor3A_479 = arith.xori %iota3A, %xor3A_478 : vector<16xi32>
    %lt3A_480 = arith.constant 0 : i32
    %lt3A_481 = vector.broadcast %lt3A_480 : i32 to vector<16xi32>
    %lt3A_482 = arith.cmpi slt, %xor3A_479, %lt3A_481 : vector<16xi32>
    %add3A_483 = arith.constant 16 : i32
    %add3A_484 = vector.broadcast %add3A_483 : i32 to vector<16xi32>
    %add3A_485 = arith.addi %xor3A_479, %add3A_484 : vector<16xi32>
    %select_n3A_486 = arith.select %lt3A_482, %add3A_485, %xor3A_479 : vector<16xi1>, vector<16xi32>
    %broadcast_in_dim3A_487 = vector.shape_cast %select_n3A_486 : vector<16xi32> to vector<16x1xi32>
    %gather3A_488 = vector.shape_cast %broadcast_in_dim3A_487 : vector<16x1xi32> to vector<16xi32>
    %gather3A_489 = tpu.dynamic_gather %select_n3A_475[%gather3A_488] in [0] : vector<16xf32>, vector<16xi32> -> vector<16xf32>
    %lt3A_490 = arith.constant 0 : i32
    %lt3A_491 = vector.broadcast %lt3A_490 : i32 to vector<16xi32>
    %lt3A_492 = arith.cmpi slt, %xor3A_479, %lt3A_491 : vector<16xi32>
    %add3A_493 = arith.constant 16 : i32
    %add3A_494 = vector.broadcast %add3A_493 : i32 to vector<16xi32>
    %add3A_495 = arith.addi %xor3A_479, %add3A_494 : vector<16xi32>
    %select_n3A_496 = arith.select %lt3A_492, %add3A_495, %xor3A_479 : vector<16xi1>, vector<16xi32>
    %broadcast_in_dim3A_497 = vector.shape_cast %select_n3A_496 : vector<16xi32> to vector<16x1xi32>
    %gather3A_498 = vector.shape_cast %broadcast_in_dim3A_497 : vector<16x1xi32> to vector<16xi32>
    %gather3A_499 = tpu.dynamic_gather %select_n3A_476[%gather3A_498] in [0] : vector<16xi32>, vector<16xi32> -> vector<16xi32>
    %gt3A_500 = arith.cmpf ogt, %gather3A_489, %select_n3A_475 : vector<16xf32>
    %eq3A_501 = arith.cmpf oeq, %gather3A_489, %select_n3A_475 : vector<16xf32>
    %lt3A_502 = arith.cmpi slt, %gather3A_499, %select_n3A_476 : vector<16xi32>
    %and3A_503 = arith.andi %eq3A_501, %lt3A_502 : vector<16xi1>
    %or3A_504 = arith.ori %gt3A_500, %and3A_503 : vector<16xi1>
    %select_n3A_505 = arith.select %or3A_504, %gather3A_489, %select_n3A_475 : vector<16xi1>, vector<16xf32>
    %select_n3A_506 = arith.select %or3A_504, %gather3A_499, %select_n3A_476 : vector<16xi1>, vector<16xi32>
    %xor3A_507 = arith.constant 2 : i32
    %xor3A_508 = vector.broadcast %xor3A_507 : i32 to vector<16xi32>
    %xor3A_509 = arith.xori %iota3A, %xor3A_508 : vector<16xi32>
    %lt3A_510 = arith.constant 0 : i32
    %lt3A_511 = vector.broadcast %lt3A_510 : i32 to vector<16xi32>
    %lt3A_512 = arith.cmpi slt, %xor3A_509, %lt3A_511 : vector<16xi32>
    %add3A_513 = arith.constant 16 : i32
    %add3A_514 = vector.broadcast %add3A_513 : i32 to vector<16xi32>
    %add3A_515 = arith.addi %xor3A_509, %add3A_514 : vector<16xi32>
    %select_n3A_516 = arith.select %lt3A_512, %add3A_515, %xor3A_509 : vector<16xi1>, vector<16xi32>
    %broadcast_in_dim3A_517 = vector.shape_cast %select_n3A_516 : vector<16xi32> to vector<16x1xi32>
    %gather3A_518 = vector.shape_cast %broadcast_in_dim3A_517 : vector<16x1xi32> to vector<16xi32>
    %gather3A_519 = tpu.dynamic_gather %select_n3A_505[%gather3A_518] in [0] : vector<16xf32>, vector<16xi32> -> vector<16xf32>
    %lt3A_520 = arith.constant 0 : i32
    %lt3A_521 = vector.broadcast %lt3A_520 : i32 to vector<16xi32>
    %lt3A_522 = arith.cmpi slt, %xor3A_509, %lt3A_521 : vector<16xi32>
    %add3A_523 = arith.constant 16 : i32
    %add3A_524 = vector.broadcast %add3A_523 : i32 to vector<16xi32>
    %add3A_525 = arith.addi %xor3A_509, %add3A_524 : vector<16xi32>
    %select_n3A_526 = arith.select %lt3A_522, %add3A_525, %xor3A_509 : vector<16xi1>, vector<16xi32>
    %broadcast_in_dim3A_527 = vector.shape_cast %select_n3A_526 : vector<16xi32> to vector<16x1xi32>
    %gather3A_528 = vector.shape_cast %broadcast_in_dim3A_527 : vector<16x1xi32> to vector<16xi32>
    %gather3A_529 = tpu.dynamic_gather %select_n3A_506[%gather3A_528] in [0] : vector<16xi32>, vector<16xi32> -> vector<16xi32>
    %gt3A_530 = arith.cmpf ogt, %gather3A_519, %select_n3A_505 : vector<16xf32>
    %eq3A_531 = arith.cmpf oeq, %gather3A_519, %select_n3A_505 : vector<16xf32>
    %lt3A_532 = arith.cmpi slt, %gather3A_529, %select_n3A_506 : vector<16xi32>
    %and3A_533 = arith.andi %eq3A_531, %lt3A_532 : vector<16xi1>
    %or3A_534 = arith.ori %gt3A_530, %and3A_533 : vector<16xi1>
    %select_n3A_535 = arith.select %or3A_534, %gather3A_519, %select_n3A_505 : vector<16xi1>, vector<16xf32>
    %select_n3A_536 = arith.select %or3A_534, %gather3A_529, %select_n3A_506 : vector<16xi1>, vector<16xi32>
    %xor3A_537 = arith.constant 1 : i32
    %xor3A_538 = vector.broadcast %xor3A_537 : i32 to vector<16xi32>
    %xor3A_539 = arith.xori %iota3A, %xor3A_538 : vector<16xi32>
    %lt3A_540 = arith.constant 0 : i32
    %lt3A_541 = vector.broadcast %lt3A_540 : i32 to vector<16xi32>
    %lt3A_542 = arith.cmpi slt, %xor3A_539, %lt3A_541 : vector<16xi32>
    %add3A_543 = arith.constant 16 : i32
    %add3A_544 = vector.broadcast %add3A_543 : i32 to vector<16xi32>
    %add3A_545 = arith.addi %xor3A_539, %add3A_544 : vector<16xi32>
    %select_n3A_546 = arith.select %lt3A_542, %add3A_545, %xor3A_539 : vector<16xi1>, vector<16xi32>
    %broadcast_in_dim3A_547 = vector.shape_cast %select_n3A_546 : vector<16xi32> to vector<16x1xi32>
    %gather3A_548 = vector.shape_cast %broadcast_in_dim3A_547 : vector<16x1xi32> to vector<16xi32>
    %gather3A_549 = tpu.dynamic_gather %select_n3A_535[%gather3A_548] in [0] : vector<16xf32>, vector<16xi32> -> vector<16xf32>
    %lt3A_550 = arith.constant 0 : i32
    %lt3A_551 = vector.broadcast %lt3A_550 : i32 to vector<16xi32>
    %lt3A_552 = arith.cmpi slt, %xor3A_539, %lt3A_551 : vector<16xi32>
    %add3A_553 = arith.constant 16 : i32
    %add3A_554 = vector.broadcast %add3A_553 : i32 to vector<16xi32>
    %add3A_555 = arith.addi %xor3A_539, %add3A_554 : vector<16xi32>
    %select_n3A_556 = arith.select %lt3A_552, %add3A_555, %xor3A_539 : vector<16xi1>, vector<16xi32>
    %broadcast_in_dim3A_557 = vector.shape_cast %select_n3A_556 : vector<16xi32> to vector<16x1xi32>
    %gather3A_558 = vector.shape_cast %broadcast_in_dim3A_557 : vector<16x1xi32> to vector<16xi32>
    %gather3A_559 = tpu.dynamic_gather %select_n3A_536[%gather3A_558] in [0] : vector<16xi32>, vector<16xi32> -> vector<16xi32>
    %gt3A_560 = arith.cmpf ogt, %gather3A_549, %select_n3A_535 : vector<16xf32>
    %eq3A_561 = arith.cmpf oeq, %gather3A_549, %select_n3A_535 : vector<16xf32>
    %lt3A_562 = arith.cmpi slt, %gather3A_559, %select_n3A_536 : vector<16xi32>
    %and3A_563 = arith.andi %eq3A_561, %lt3A_562 : vector<16xi1>
    %or3A_564 = arith.ori %gt3A_560, %and3A_563 : vector<16xi1>
    %select_n3A_565 = arith.select %or3A_564, %gather3A_549, %select_n3A_535 : vector<16xi1>, vector<16xf32>
    %select_n3A_566 = arith.select %or3A_564, %gather3A_559, %select_n3A_536 : vector<16xi1>, vector<16xi32>
    %slice3A_567 = vector.extract_strided_slice %select_n3A_565 {offsets = [0], sizes = [1], strides = [1]} : vector<16xf32> to vector<1xf32>
    %squeeze3A_568 = vector.extract %slice3A_567[0] : f32 from vector<1xf32>
    %slice3A_569 = vector.extract_strided_slice %select_n3A_566 {offsets = [0], sizes = [1], strides = [1]} : vector<16xi32> to vector<1xi32>
    %squeeze3A_570 = vector.extract %slice3A_569[0] : i32 from vector<1xi32>
    %add3A_571 = arith.constant 2 : i32
    %add3A_572 = arith.addi %mul3A_0, %add3A_571 : i32
    %mul3A_573 = arith.constant 2048 : i32
    %mul3A_574 = arith.muli %add3A_572, %mul3A_573 : i32
    %add3A_575 = arith.addi %mul3A_574, %squeeze3A_570 : i32
    %dma_start3A_576 = arith.constant 0 : i32
    %dma_start3A_577 = tpu.memref_slice %arg3[%add3A_575, %dma_start3A_576] : memref<131072x1024xf32, #tpu.memory_space<hbm>> -> memref<1x1024xf32, #tpu.memory_space<hbm>>
    %dma_start3A_578 = tpu.memref_squeeze %dma_start3A_577 : memref<1x1024xf32, #tpu.memory_space<hbm>> -> memref<1024xf32, #tpu.memory_space<hbm>>
    %dma_start3A_579 = arith.constant 0 : i32
    %dma_start3A_580 = tpu.memref_slice %arg3[%add3A_575, %dma_start3A_579] : memref<131072x1024xf32, #tpu.memory_space<hbm>> -> memref<1x1024xf32, #tpu.memory_space<hbm>>
    %dma_start3A_581 = tpu.memref_squeeze %dma_start3A_580 : memref<1x1024xf32, #tpu.memory_space<hbm>> -> memref<1024xf32, #tpu.memory_space<hbm>>
    tpu.enqueue_dma source(%dma_start3A_581 : memref<1024xf32, #tpu.memory_space<hbm>>) target(%arg11 : memref<1024xf32, #tpu.memory_space<vmem>>) target_semaphore(%arg15 : memref<!tpu.dma_semaphore, #tpu.memory_space<semaphore_mem>>)
    %dma_wait3A_582 = arith.constant 0 : i32
    %dma_wait3A_583 = tpu.memref_slice %arg2[%add3A_24, %dma_wait3A_582] : memref<64x2048xf32, #tpu.memory_space<hbm>> -> memref<1x2048xf32, #tpu.memory_space<hbm>>
    %dma_wait3A_584 = tpu.memref_squeeze %dma_wait3A_583 : memref<1x2048xf32, #tpu.memory_space<hbm>> -> memref<2048xf32, #tpu.memory_space<hbm>>
    %dma_wait3A_585 = arith.constant 0 : i32
    %dma_wait3A_586 = tpu.memref_slice %arg2[%add3A_24, %dma_wait3A_585] : memref<64x2048xf32, #tpu.memory_space<hbm>> -> memref<1x2048xf32, #tpu.memory_space<hbm>>
    %dma_wait3A_587 = tpu.memref_squeeze %dma_wait3A_586 : memref<1x2048xf32, #tpu.memory_space<hbm>> -> memref<2048xf32, #tpu.memory_space<hbm>>
    tpu.wait_dma2 semaphore(%arg16 : memref<!tpu.dma_semaphore, #tpu.memory_space<semaphore_mem>>) src(%dma_wait3A_587 : memref<2048xf32, #tpu.memory_space<hbm>>) dst(%arg8 : memref<2048xf32, #tpu.memory_space<vmem>>)
    %broadcast_in_dim3A_588 = arith.constant 0xFF800000 : f32
    %broadcast_in_dim3A_589 = vector.broadcast %broadcast_in_dim3A_588 : f32 to vector<16xf32>
    %broadcast_in_dim3A_590 = arith.constant 0 : i32
    %broadcast_in_dim3A_591 = vector.broadcast %broadcast_in_dim3A_590 : i32 to vector<16xi32>
    %broadcast_in_dim3A_592 = arith.constant 0xFF800000 : f32
    %broadcast_in_dim3A_593 = vector.broadcast %broadcast_in_dim3A_592 : f32 to vector<16xf32>
    %broadcast_in_dim3A_594 = arith.constant 0 : i32
    %broadcast_in_dim3A_595 = vector.broadcast %broadcast_in_dim3A_594 : i32 to vector<16xi32>
    %broadcast_in_dim3A_596 = arith.constant 0xFF800000 : f32
    %broadcast_in_dim3A_597 = vector.broadcast %broadcast_in_dim3A_596 : f32 to vector<16xf32>
    %broadcast_in_dim3A_598 = arith.constant 0 : i32
    %broadcast_in_dim3A_599 = vector.broadcast %broadcast_in_dim3A_598 : i32 to vector<16xi32>
    %broadcast_in_dim3A_600 = arith.constant 0xFF800000 : f32
    %broadcast_in_dim3A_601 = vector.broadcast %broadcast_in_dim3A_600 : f32 to vector<16xf32>
    %broadcast_in_dim3A_602 = arith.constant 0 : i32
    %broadcast_in_dim3A_603 = vector.broadcast %broadcast_in_dim3A_602 : i32 to vector<16xi32>
    %scan3A_604 = arith.constant 0 : i32
    %scan3A_605 = arith.constant 16 : i32
    %scan3A_606 = arith.addi %scan3A_604, %scan3A_605 : i32
    %scan3A_607 = arith.constant 1 : i32
    %scan3A_608:8 = scf.for %scan3A_850 = %scan3A_604 to %scan3A_606 step %scan3A_607 iter_args(%scan3A_851 = %broadcast_in_dim3A_589, %scan3A_852 = %broadcast_in_dim3A_591, %scan3A_853 = %broadcast_in_dim3A_593, %scan3A_854 = %broadcast_in_dim3A_595, %scan3A_855 = %broadcast_in_dim3A_597, %scan3A_856 = %broadcast_in_dim3A_599, %scan3A_857 = %broadcast_in_dim3A_601, %scan3A_858 = %broadcast_in_dim3A_603) -> (vector<16xf32>, vector<16xi32>, vector<16xf32>, vector<16xi32>, vector<16xf32>, vector<16xi32>, vector<16xf32>, vector<16xi32>)  : i32 {
      %mul3A_859 = arith.constant 8 : i32
      %mul3A_860 = arith.muli %scan3A_850, %mul3A_859 : i32
      %add3A_861 = arith.constant 0 : i32
      %add3A_862 = arith.addi %mul3A_860, %add3A_861 : i32
      %mul3A_863 = arith.constant 16 : i32
      %mul3A_864 = arith.muli %add3A_862, %mul3A_863 : i32
      %get3A = arith.index_cast %mul3A_864 : i32 to index
      %get3A_865 = tpu.vector_load %arg8[%get3A] {strides = array<i32>} : memref<2048xf32, #tpu.memory_space<vmem>>, vector<16xf32>,
      %get3A_866 = vector.shape_cast %get3A_865 : vector<16xf32> to vector<16xf32>
      %gt3A_867 = arith.cmpf ogt, %get3A_866, %scan3A_851 : vector<16xf32>
      %select_n3A_868 = arith.select %gt3A_867, %get3A_866, %scan3A_851 : vector<16xi1>, vector<16xf32>
      %broadcast_in_dim3A_869 = vector.broadcast %add3A_862 : i32 to vector<16xi32>
      %select_n3A_870 = arith.select %gt3A_867, %broadcast_in_dim3A_869, %scan3A_852 : vector<16xi1>, vector<16xi32>
      %add3A_871 = arith.constant 1 : i32
      %add3A_872 = arith.addi %mul3A_860, %add3A_871 : i32
      %mul3A_873 = arith.constant 16 : i32
      %mul3A_874 = arith.muli %add3A_872, %mul3A_873 : i32
      %get3A_875 = arith.index_cast %mul3A_874 : i32 to index
      %get3A_876 = tpu.vector_load %arg8[%get3A_875] {strides = array<i32>} : memref<2048xf32, #tpu.memory_space<vmem>>, vector<16xf32>,
      %get3A_877 = vector.shape_cast %get3A_876 : vector<16xf32> to vector<16xf32>
      %gt3A_878 = arith.cmpf ogt, %get3A_877, %scan3A_853 : vector<16xf32>
      %select_n3A_879 = arith.select %gt3A_878, %get3A_877, %scan3A_853 : vector<16xi1>, vector<16xf32>
      %broadcast_in_dim3A_880 = vector.broadcast %add3A_872 : i32 to vector<16xi32>
      %select_n3A_881 = arith.select %gt3A_878, %broadcast_in_dim3A_880, %scan3A_854 : vector<16xi1>, vector<16xi32>
      %add3A_882 = arith.constant 2 : i32
      %add3A_883 = arith.addi %mul3A_860, %add3A_882 : i32
      %mul3A_884 = arith.constant 16 : i32
      %mul3A_885 = arith.muli %add3A_883, %mul3A_884 : i32
      %get3A_886 = arith.index_cast %mul3A_885 : i32 to index
      %get3A_887 = tpu.vector_load %arg8[%get3A_886] {strides = array<i32>} : memref<2048xf32, #tpu.memory_space<vmem>>, vector<16xf32>,
      %get3A_888 = vector.shape_cast %get3A_887 : vector<16xf32> to vector<16xf32>
      %gt3A_889 = arith.cmpf ogt, %get3A_888, %scan3A_855 : vector<16xf32>
      %select_n3A_890 = arith.select %gt3A_889, %get3A_888, %scan3A_855 : vector<16xi1>, vector<16xf32>
      %broadcast_in_dim3A_891 = vector.broadcast %add3A_883 : i32 to vector<16xi32>
      %select_n3A_892 = arith.select %gt3A_889, %broadcast_in_dim3A_891, %scan3A_856 : vector<16xi1>, vector<16xi32>
      %add3A_893 = arith.constant 3 : i32
      %add3A_894 = arith.addi %mul3A_860, %add3A_893 : i32
      %mul3A_895 = arith.constant 16 : i32
      %mul3A_896 = arith.muli %add3A_894, %mul3A_895 : i32
      %get3A_897 = arith.index_cast %mul3A_896 : i32 to index
      %get3A_898 = tpu.vector_load %arg8[%get3A_897] {strides = array<i32>} : memref<2048xf32, #tpu.memory_space<vmem>>, vector<16xf32>,
      %get3A_899 = vector.shape_cast %get3A_898 : vector<16xf32> to vector<16xf32>
      %gt3A_900 = arith.cmpf ogt, %get3A_899, %scan3A_857 : vector<16xf32>
      %select_n3A_901 = arith.select %gt3A_900, %get3A_899, %scan3A_857 : vector<16xi1>, vector<16xf32>
      %broadcast_in_dim3A_902 = vector.broadcast %add3A_894 : i32 to vector<16xi32>
      %select_n3A_903 = arith.select %gt3A_900, %broadcast_in_dim3A_902, %scan3A_858 : vector<16xi1>, vector<16xi32>
      %add3A_904 = arith.constant 4 : i32
      %add3A_905 = arith.addi %mul3A_860, %add3A_904 : i32
      %mul3A_906 = arith.constant 16 : i32
      %mul3A_907 = arith.muli %add3A_905, %mul3A_906 : i32
      %get3A_908 = arith.index_cast %mul3A_907 : i32 to index
      %get3A_909 = tpu.vector_load %arg8[%get3A_908] {strides = array<i32>} : memref<2048xf32, #tpu.memory_space<vmem>>, vector<16xf32>,
      %get3A_910 = vector.shape_cast %get3A_909 : vector<16xf32> to vector<16xf32>
      %gt3A_911 = arith.cmpf ogt, %get3A_910, %select_n3A_868 : vector<16xf32>
      %select_n3A_912 = arith.select %gt3A_911, %get3A_910, %select_n3A_868 : vector<16xi1>, vector<16xf32>
      %broadcast_in_dim3A_913 = vector.broadcast %add3A_905 : i32 to vector<16xi32>
      %select_n3A_914 = arith.select %gt3A_911, %broadcast_in_dim3A_913, %select_n3A_870 : vector<16xi1>, vector<16xi32>
      %add3A_915 = arith.constant 5 : i32
      %add3A_916 = arith.addi %mul3A_860, %add3A_915 : i32
      %mul3A_917 = arith.constant 16 : i32
      %mul3A_918 = arith.muli %add3A_916, %mul3A_917 : i32
      %get3A_919 = arith.index_cast %mul3A_918 : i32 to index
      %get3A_920 = tpu.vector_load %arg8[%get3A_919] {strides = array<i32>} : memref<2048xf32, #tpu.memory_space<vmem>>, vector<16xf32>,
      %get3A_921 = vector.shape_cast %get3A_920 : vector<16xf32> to vector<16xf32>
      %gt3A_922 = arith.cmpf ogt, %get3A_921, %select_n3A_879 : vector<16xf32>
      %select_n3A_923 = arith.select %gt3A_922, %get3A_921, %select_n3A_879 : vector<16xi1>, vector<16xf32>
      %broadcast_in_dim3A_924 = vector.broadcast %add3A_916 : i32 to vector<16xi32>
      %select_n3A_925 = arith.select %gt3A_922, %broadcast_in_dim3A_924, %select_n3A_881 : vector<16xi1>, vector<16xi32>
      %add3A_926 = arith.constant 6 : i32
      %add3A_927 = arith.addi %mul3A_860, %add3A_926 : i32
      %mul3A_928 = arith.constant 16 : i32
      %mul3A_929 = arith.muli %add3A_927, %mul3A_928 : i32
      %get3A_930 = arith.index_cast %mul3A_929 : i32 to index
      %get3A_931 = tpu.vector_load %arg8[%get3A_930] {strides = array<i32>} : memref<2048xf32, #tpu.memory_space<vmem>>, vector<16xf32>,
      %get3A_932 = vector.shape_cast %get3A_931 : vector<16xf32> to vector<16xf32>
      %gt3A_933 = arith.cmpf ogt, %get3A_932, %select_n3A_890 : vector<16xf32>
      %select_n3A_934 = arith.select %gt3A_933, %get3A_932, %select_n3A_890 : vector<16xi1>, vector<16xf32>
      %broadcast_in_dim3A_935 = vector.broadcast %add3A_927 : i32 to vector<16xi32>
      %select_n3A_936 = arith.select %gt3A_933, %broadcast_in_dim3A_935, %select_n3A_892 : vector<16xi1>, vector<16xi32>
      %add3A_937 = arith.constant 7 : i32
      %add3A_938 = arith.addi %mul3A_860, %add3A_937 : i32
      %mul3A_939 = arith.constant 16 : i32
      %mul3A_940 = arith.muli %add3A_938, %mul3A_939 : i32
      %get3A_941 = arith.index_cast %mul3A_940 : i32 to index
      %get3A_942 = tpu.vector_load %arg8[%get3A_941] {strides = array<i32>} : memref<2048xf32, #tpu.memory_space<vmem>>, vector<16xf32>,
      %get3A_943 = vector.shape_cast %get3A_942 : vector<16xf32> to vector<16xf32>
      %gt3A_944 = arith.cmpf ogt, %get3A_943, %select_n3A_901 : vector<16xf32>
      %select_n3A_945 = arith.select %gt3A_944, %get3A_943, %select_n3A_901 : vector<16xi1>, vector<16xf32>
      %broadcast_in_dim3A_946 = vector.broadcast %add3A_938 : i32 to vector<16xi32>
      %select_n3A_947 = arith.select %gt3A_944, %broadcast_in_dim3A_946, %select_n3A_903 : vector<16xi1>, vector<16xi32>
      scf.yield %select_n3A_912, %select_n3A_914, %select_n3A_923, %select_n3A_925, %select_n3A_934, %select_n3A_936, %select_n3A_945, %select_n3A_947 : vector<16xf32>, vector<16xi32>, vector<16xf32>, vector<16xi32>, vector<16xf32>, vector<16xi32>, vector<16xf32>, vector<16xi32>
    }
    %scan3A_609 = arith.constant 16 : i32
    %gt3A_610 = arith.cmpf ogt, %scan3A_608#2, %scan3A_608#0 : vector<16xf32>
    %eq3A_611 = arith.cmpf oeq, %scan3A_608#2, %scan3A_608#0 : vector<16xf32>
    %lt3A_612 = arith.cmpi slt, %scan3A_608#3, %scan3A_608#1 : vector<16xi32>
    %and3A_613 = arith.andi %eq3A_611, %lt3A_612 : vector<16xi1>
    %or3A_614 = arith.ori %gt3A_610, %and3A_613 : vector<16xi1>
    %select_n3A_615 = arith.select %or3A_614, %scan3A_608#2, %scan3A_608#0 : vector<16xi1>, vector<16xf32>
    %select_n3A_616 = arith.select %or3A_614, %scan3A_608#3, %scan3A_608#1 : vector<16xi1>, vector<16xi32>
    %gt3A_617 = arith.cmpf ogt, %scan3A_608#4, %select_n3A_615 : vector<16xf32>
    %eq3A_618 = arith.cmpf oeq, %scan3A_608#4, %select_n3A_615 : vector<16xf32>
    %lt3A_619 = arith.cmpi slt, %scan3A_608#5, %select_n3A_616 : vector<16xi32>
    %and3A_620 = arith.andi %eq3A_618, %lt3A_619 : vector<16xi1>
    %or3A_621 = arith.ori %gt3A_617, %and3A_620 : vector<16xi1>
    %select_n3A_622 = arith.select %or3A_621, %scan3A_608#4, %select_n3A_615 : vector<16xi1>, vector<16xf32>
    %select_n3A_623 = arith.select %or3A_621, %scan3A_608#5, %select_n3A_616 : vector<16xi1>, vector<16xi32>
    %gt3A_624 = arith.cmpf ogt, %scan3A_608#6, %select_n3A_622 : vector<16xf32>
    %eq3A_625 = arith.cmpf oeq, %scan3A_608#6, %select_n3A_622 : vector<16xf32>
    %lt3A_626 = arith.cmpi slt, %scan3A_608#7, %select_n3A_623 : vector<16xi32>
    %and3A_627 = arith.andi %eq3A_625, %lt3A_626 : vector<16xi1>
    %or3A_628 = arith.ori %gt3A_624, %and3A_627 : vector<16xi1>
    %select_n3A_629 = arith.select %or3A_628, %scan3A_608#6, %select_n3A_622 : vector<16xi1>, vector<16xf32>
    %select_n3A_630 = arith.select %or3A_628, %scan3A_608#7, %select_n3A_623 : vector<16xi1>, vector<16xi32>
    %mul3A_631 = arith.constant 16 : i32
    %mul3A_632 = vector.broadcast %mul3A_631 : i32 to vector<16xi32>
    %mul3A_633 = arith.muli %select_n3A_630, %mul3A_632 : vector<16xi32>
    %add3A_634 = arith.addi %mul3A_633, %iota3A : vector<16xi32>
    %xor3A_635 = arith.constant 8 : i32
    %xor3A_636 = vector.broadcast %xor3A_635 : i32 to vector<16xi32>
    %xor3A_637 = arith.xori %iota3A, %xor3A_636 : vector<16xi32>
    %lt3A_638 = arith.constant 0 : i32
    %lt3A_639 = vector.broadcast %lt3A_638 : i32 to vector<16xi32>
    %lt3A_640 = arith.cmpi slt, %xor3A_637, %lt3A_639 : vector<16xi32>
    %add3A_641 = arith.constant 16 : i32
    %add3A_642 = vector.broadcast %add3A_641 : i32 to vector<16xi32>
    %add3A_643 = arith.addi %xor3A_637, %add3A_642 : vector<16xi32>
    %select_n3A_644 = arith.select %lt3A_640, %add3A_643, %xor3A_637 : vector<16xi1>, vector<16xi32>
    %broadcast_in_dim3A_645 = vector.shape_cast %select_n3A_644 : vector<16xi32> to vector<16x1xi32>
    %gather3A_646 = vector.shape_cast %broadcast_in_dim3A_645 : vector<16x1xi32> to vector<16xi32>
    %gather3A_647 = tpu.dynamic_gather %select_n3A_629[%gather3A_646] in [0] : vector<16xf32>, vector<16xi32> -> vector<16xf32>
    %lt3A_648 = arith.constant 0 : i32
    %lt3A_649 = vector.broadcast %lt3A_648 : i32 to vector<16xi32>
    %lt3A_650 = arith.cmpi slt, %xor3A_637, %lt3A_649 : vector<16xi32>
    %add3A_651 = arith.constant 16 : i32
    %add3A_652 = vector.broadcast %add3A_651 : i32 to vector<16xi32>
    %add3A_653 = arith.addi %xor3A_637, %add3A_652 : vector<16xi32>
    %select_n3A_654 = arith.select %lt3A_650, %add3A_653, %xor3A_637 : vector<16xi1>, vector<16xi32>
    %broadcast_in_dim3A_655 = vector.shape_cast %select_n3A_654 : vector<16xi32> to vector<16x1xi32>
    %gather3A_656 = vector.shape_cast %broadcast_in_dim3A_655 : vector<16x1xi32> to vector<16xi32>
    %gather3A_657 = tpu.dynamic_gather %add3A_634[%gather3A_656] in [0] : vector<16xi32>, vector<16xi32> -> vector<16xi32>
    %gt3A_658 = arith.cmpf ogt, %gather3A_647, %select_n3A_629 : vector<16xf32>
    %eq3A_659 = arith.cmpf oeq, %gather3A_647, %select_n3A_629 : vector<16xf32>
    %lt3A_660 = arith.cmpi slt, %gather3A_657, %add3A_634 : vector<16xi32>
    %and3A_661 = arith.andi %eq3A_659, %lt3A_660 : vector<16xi1>
    %or3A_662 = arith.ori %gt3A_658, %and3A_661 : vector<16xi1>
    %select_n3A_663 = arith.select %or3A_662, %gather3A_647, %select_n3A_629 : vector<16xi1>, vector<16xf32>
    %select_n3A_664 = arith.select %or3A_662, %gather3A_657, %add3A_634 : vector<16xi1>, vector<16xi32>
    %xor3A_665 = arith.constant 4 : i32
    %xor3A_666 = vector.broadcast %xor3A_665 : i32 to vector<16xi32>
    %xor3A_667 = arith.xori %iota3A, %xor3A_666 : vector<16xi32>
    %lt3A_668 = arith.constant 0 : i32
    %lt3A_669 = vector.broadcast %lt3A_668 : i32 to vector<16xi32>
    %lt3A_670 = arith.cmpi slt, %xor3A_667, %lt3A_669 : vector<16xi32>
    %add3A_671 = arith.constant 16 : i32
    %add3A_672 = vector.broadcast %add3A_671 : i32 to vector<16xi32>
    %add3A_673 = arith.addi %xor3A_667, %add3A_672 : vector<16xi32>
    %select_n3A_674 = arith.select %lt3A_670, %add3A_673, %xor3A_667 : vector<16xi1>, vector<16xi32>
    %broadcast_in_dim3A_675 = vector.shape_cast %select_n3A_674 : vector<16xi32> to vector<16x1xi32>
    %gather3A_676 = vector.shape_cast %broadcast_in_dim3A_675 : vector<16x1xi32> to vector<16xi32>
    %gather3A_677 = tpu.dynamic_gather %select_n3A_663[%gather3A_676] in [0] : vector<16xf32>, vector<16xi32> -> vector<16xf32>
    %lt3A_678 = arith.constant 0 : i32
    %lt3A_679 = vector.broadcast %lt3A_678 : i32 to vector<16xi32>
    %lt3A_680 = arith.cmpi slt, %xor3A_667, %lt3A_679 : vector<16xi32>
    %add3A_681 = arith.constant 16 : i32
    %add3A_682 = vector.broadcast %add3A_681 : i32 to vector<16xi32>
    %add3A_683 = arith.addi %xor3A_667, %add3A_682 : vector<16xi32>
    %select_n3A_684 = arith.select %lt3A_680, %add3A_683, %xor3A_667 : vector<16xi1>, vector<16xi32>
    %broadcast_in_dim3A_685 = vector.shape_cast %select_n3A_684 : vector<16xi32> to vector<16x1xi32>
    %gather3A_686 = vector.shape_cast %broadcast_in_dim3A_685 : vector<16x1xi32> to vector<16xi32>
    %gather3A_687 = tpu.dynamic_gather %select_n3A_664[%gather3A_686] in [0] : vector<16xi32>, vector<16xi32> -> vector<16xi32>
    %gt3A_688 = arith.cmpf ogt, %gather3A_677, %select_n3A_663 : vector<16xf32>
    %eq3A_689 = arith.cmpf oeq, %gather3A_677, %select_n3A_663 : vector<16xf32>
    %lt3A_690 = arith.cmpi slt, %gather3A_687, %select_n3A_664 : vector<16xi32>
    %and3A_691 = arith.andi %eq3A_689, %lt3A_690 : vector<16xi1>
    %or3A_692 = arith.ori %gt3A_688, %and3A_691 : vector<16xi1>
    %select_n3A_693 = arith.select %or3A_692, %gather3A_677, %select_n3A_663 : vector<16xi1>, vector<16xf32>
    %select_n3A_694 = arith.select %or3A_692, %gather3A_687, %select_n3A_664 : vector<16xi1>, vector<16xi32>
    %xor3A_695 = arith.constant 2 : i32
    %xor3A_696 = vector.broadcast %xor3A_695 : i32 to vector<16xi32>
    %xor3A_697 = arith.xori %iota3A, %xor3A_696 : vector<16xi32>
    %lt3A_698 = arith.constant 0 : i32
    %lt3A_699 = vector.broadcast %lt3A_698 : i32 to vector<16xi32>
    %lt3A_700 = arith.cmpi slt, %xor3A_697, %lt3A_699 : vector<16xi32>
    %add3A_701 = arith.constant 16 : i32
    %add3A_702 = vector.broadcast %add3A_701 : i32 to vector<16xi32>
    %add3A_703 = arith.addi %xor3A_697, %add3A_702 : vector<16xi32>
    %select_n3A_704 = arith.select %lt3A_700, %add3A_703, %xor3A_697 : vector<16xi1>, vector<16xi32>
    %broadcast_in_dim3A_705 = vector.shape_cast %select_n3A_704 : vector<16xi32> to vector<16x1xi32>
    %gather3A_706 = vector.shape_cast %broadcast_in_dim3A_705 : vector<16x1xi32> to vector<16xi32>
    %gather3A_707 = tpu.dynamic_gather %select_n3A_693[%gather3A_706] in [0] : vector<16xf32>, vector<16xi32> -> vector<16xf32>
    %lt3A_708 = arith.constant 0 : i32
    %lt3A_709 = vector.broadcast %lt3A_708 : i32 to vector<16xi32>
    %lt3A_710 = arith.cmpi slt, %xor3A_697, %lt3A_709 : vector<16xi32>
    %add3A_711 = arith.constant 16 : i32
    %add3A_712 = vector.broadcast %add3A_711 : i32 to vector<16xi32>
    %add3A_713 = arith.addi %xor3A_697, %add3A_712 : vector<16xi32>
    %select_n3A_714 = arith.select %lt3A_710, %add3A_713, %xor3A_697 : vector<16xi1>, vector<16xi32>
    %broadcast_in_dim3A_715 = vector.shape_cast %select_n3A_714 : vector<16xi32> to vector<16x1xi32>
    %gather3A_716 = vector.shape_cast %broadcast_in_dim3A_715 : vector<16x1xi32> to vector<16xi32>
    %gather3A_717 = tpu.dynamic_gather %select_n3A_694[%gather3A_716] in [0] : vector<16xi32>, vector<16xi32> -> vector<16xi32>
    %gt3A_718 = arith.cmpf ogt, %gather3A_707, %select_n3A_693 : vector<16xf32>
    %eq3A_719 = arith.cmpf oeq, %gather3A_707, %select_n3A_693 : vector<16xf32>
    %lt3A_720 = arith.cmpi slt, %gather3A_717, %select_n3A_694 : vector<16xi32>
    %and3A_721 = arith.andi %eq3A_719, %lt3A_720 : vector<16xi1>
    %or3A_722 = arith.ori %gt3A_718, %and3A_721 : vector<16xi1>
    %select_n3A_723 = arith.select %or3A_722, %gather3A_707, %select_n3A_693 : vector<16xi1>, vector<16xf32>
    %select_n3A_724 = arith.select %or3A_722, %gather3A_717, %select_n3A_694 : vector<16xi1>, vector<16xi32>
    %xor3A_725 = arith.constant 1 : i32
    %xor3A_726 = vector.broadcast %xor3A_725 : i32 to vector<16xi32>
    %xor3A_727 = arith.xori %iota3A, %xor3A_726 : vector<16xi32>
    %lt3A_728 = arith.constant 0 : i32
    %lt3A_729 = vector.broadcast %lt3A_728 : i32 to vector<16xi32>
    %lt3A_730 = arith.cmpi slt, %xor3A_727, %lt3A_729 : vector<16xi32>
    %add3A_731 = arith.constant 16 : i32
    %add3A_732 = vector.broadcast %add3A_731 : i32 to vector<16xi32>
    %add3A_733 = arith.addi %xor3A_727, %add3A_732 : vector<16xi32>
    %select_n3A_734 = arith.select %lt3A_730, %add3A_733, %xor3A_727 : vector<16xi1>, vector<16xi32>
    %broadcast_in_dim3A_735 = vector.shape_cast %select_n3A_734 : vector<16xi32> to vector<16x1xi32>
    %gather3A_736 = vector.shape_cast %broadcast_in_dim3A_735 : vector<16x1xi32> to vector<16xi32>
    %gather3A_737 = tpu.dynamic_gather %select_n3A_723[%gather3A_736] in [0] : vector<16xf32>, vector<16xi32> -> vector<16xf32>
    %lt3A_738 = arith.constant 0 : i32
    %lt3A_739 = vector.broadcast %lt3A_738 : i32 to vector<16xi32>
    %lt3A_740 = arith.cmpi slt, %xor3A_727, %lt3A_739 : vector<16xi32>
    %add3A_741 = arith.constant 16 : i32
    %add3A_742 = vector.broadcast %add3A_741 : i32 to vector<16xi32>
    %add3A_743 = arith.addi %xor3A_727, %add3A_742 : vector<16xi32>
    %select_n3A_744 = arith.select %lt3A_740, %add3A_743, %xor3A_727 : vector<16xi1>, vector<16xi32>
    %broadcast_in_dim3A_745 = vector.shape_cast %select_n3A_744 : vector<16xi32> to vector<16x1xi32>
    %gather3A_746 = vector.shape_cast %broadcast_in_dim3A_745 : vector<16x1xi32> to vector<16xi32>
    %gather3A_747 = tpu.dynamic_gather %select_n3A_724[%gather3A_746] in [0] : vector<16xi32>, vector<16xi32> -> vector<16xi32>
    %gt3A_748 = arith.cmpf ogt, %gather3A_737, %select_n3A_723 : vector<16xf32>
    %eq3A_749 = arith.cmpf oeq, %gather3A_737, %select_n3A_723 : vector<16xf32>
    %lt3A_750 = arith.cmpi slt, %gather3A_747, %select_n3A_724 : vector<16xi32>
    %and3A_751 = arith.andi %eq3A_749, %lt3A_750 : vector<16xi1>
    %or3A_752 = arith.ori %gt3A_748, %and3A_751 : vector<16xi1>
    %select_n3A_753 = arith.select %or3A_752, %gather3A_737, %select_n3A_723 : vector<16xi1>, vector<16xf32>
    %select_n3A_754 = arith.select %or3A_752, %gather3A_747, %select_n3A_724 : vector<16xi1>, vector<16xi32>
    %slice3A_755 = vector.extract_strided_slice %select_n3A_753 {offsets = [0], sizes = [1], strides = [1]} : vector<16xf32> to vector<1xf32>
    %squeeze3A_756 = vector.extract %slice3A_755[0] : f32 from vector<1xf32>
    %slice3A_757 = vector.extract_strided_slice %select_n3A_754 {offsets = [0], sizes = [1], strides = [1]} : vector<16xi32> to vector<1xi32>
    %squeeze3A_758 = vector.extract %slice3A_757[0] : i32 from vector<1xi32>
    %add3A_759 = arith.constant 3 : i32
    %add3A_760 = arith.addi %mul3A_0, %add3A_759 : i32
    %mul3A_761 = arith.constant 2048 : i32
    %mul3A_762 = arith.muli %add3A_760, %mul3A_761 : i32
    %add3A_763 = arith.addi %mul3A_762, %squeeze3A_758 : i32
    %dma_start3A_764 = arith.constant 0 : i32
    %dma_start3A_765 = tpu.memref_slice %arg3[%add3A_763, %dma_start3A_764] : memref<131072x1024xf32, #tpu.memory_space<hbm>> -> memref<1x1024xf32, #tpu.memory_space<hbm>>
    %dma_start3A_766 = tpu.memref_squeeze %dma_start3A_765 : memref<1x1024xf32, #tpu.memory_space<hbm>> -> memref<1024xf32, #tpu.memory_space<hbm>>
    %dma_start3A_767 = arith.constant 0 : i32
    %dma_start3A_768 = tpu.memref_slice %arg3[%add3A_763, %dma_start3A_767] : memref<131072x1024xf32, #tpu.memory_space<hbm>> -> memref<1x1024xf32, #tpu.memory_space<hbm>>
    %dma_start3A_769 = tpu.memref_squeeze %dma_start3A_768 : memref<1x1024xf32, #tpu.memory_space<hbm>> -> memref<1024xf32, #tpu.memory_space<hbm>>
    tpu.enqueue_dma source(%dma_start3A_769 : memref<1024xf32, #tpu.memory_space<hbm>>) target(%arg12 : memref<1024xf32, #tpu.memory_space<vmem>>) target_semaphore(%arg16 : memref<!tpu.dma_semaphore, #tpu.memory_space<semaphore_mem>>)
    %dma_wait3A_770 = arith.constant 0 : i32
    %dma_wait3A_771 = tpu.memref_slice %arg3[%add3A_199, %dma_wait3A_770] : memref<131072x1024xf32, #tpu.memory_space<hbm>> -> memref<1x1024xf32, #tpu.memory_space<hbm>>
    %dma_wait3A_772 = tpu.memref_squeeze %dma_wait3A_771 : memref<1x1024xf32, #tpu.memory_space<hbm>> -> memref<1024xf32, #tpu.memory_space<hbm>>
    %dma_wait3A_773 = arith.constant 0 : i32
    %dma_wait3A_774 = tpu.memref_slice %arg3[%add3A_199, %dma_wait3A_773] : memref<131072x1024xf32, #tpu.memory_space<hbm>> -> memref<1x1024xf32, #tpu.memory_space<hbm>>
    %dma_wait3A_775 = tpu.memref_squeeze %dma_wait3A_774 : memref<1x1024xf32, #tpu.memory_space<hbm>> -> memref<1024xf32, #tpu.memory_space<hbm>>
    tpu.wait_dma2 semaphore(%arg13 : memref<!tpu.dma_semaphore, #tpu.memory_space<semaphore_mem>>) src(%dma_wait3A_775 : memref<1024xf32, #tpu.memory_space<hbm>>) dst(%arg9 : memref<1024xf32, #tpu.memory_space<vmem>>)
    %add3A_776 = arith.constant 0 : i32
    %add3A_777 = arith.addi %mul3A_0, %add3A_776 : i32
    %dma_start3A_778 = arith.constant 0 : i32
    %dma_start3A_779 = tpu.memref_slice %arg4[%add3A_777, %dma_start3A_778] : memref<64x1024xf32, #tpu.memory_space<hbm>> -> memref<1x1024xf32, #tpu.memory_space<hbm>>
    %dma_start3A_780 = tpu.memref_squeeze %dma_start3A_779 : memref<1x1024xf32, #tpu.memory_space<hbm>> -> memref<1024xf32, #tpu.memory_space<hbm>>
    %dma_start3A_781 = arith.constant 0 : i32
    %dma_start3A_782 = tpu.memref_slice %arg4[%add3A_777, %dma_start3A_781] : memref<64x1024xf32, #tpu.memory_space<hbm>> -> memref<1x1024xf32, #tpu.memory_space<hbm>>
    %dma_start3A_783 = tpu.memref_squeeze %dma_start3A_782 : memref<1x1024xf32, #tpu.memory_space<hbm>> -> memref<1024xf32, #tpu.memory_space<hbm>>
    tpu.enqueue_dma source(%arg9 : memref<1024xf32, #tpu.memory_space<vmem>>) target(%dma_start3A_783 : memref<1024xf32, #tpu.memory_space<hbm>>) target_semaphore(%arg13 : memref<!tpu.dma_semaphore, #tpu.memory_space<semaphore_mem>>)
    %dma_wait3A_784 = arith.constant 0 : i32
    %dma_wait3A_785 = tpu.memref_slice %arg3[%add3A_387, %dma_wait3A_784] : memref<131072x1024xf32, #tpu.memory_space<hbm>> -> memref<1x1024xf32, #tpu.memory_space<hbm>>
    %dma_wait3A_786 = tpu.memref_squeeze %dma_wait3A_785 : memref<1x1024xf32, #tpu.memory_space<hbm>> -> memref<1024xf32, #tpu.memory_space<hbm>>
    %dma_wait3A_787 = arith.constant 0 : i32
    %dma_wait3A_788 = tpu.memref_slice %arg3[%add3A_387, %dma_wait3A_787] : memref<131072x1024xf32, #tpu.memory_space<hbm>> -> memref<1x1024xf32, #tpu.memory_space<hbm>>
    %dma_wait3A_789 = tpu.memref_squeeze %dma_wait3A_788 : memref<1x1024xf32, #tpu.memory_space<hbm>> -> memref<1024xf32, #tpu.memory_space<hbm>>
    tpu.wait_dma2 semaphore(%arg14 : memref<!tpu.dma_semaphore, #tpu.memory_space<semaphore_mem>>) src(%dma_wait3A_789 : memref<1024xf32, #tpu.memory_space<hbm>>) dst(%arg10 : memref<1024xf32, #tpu.memory_space<vmem>>)
    %add3A_790 = arith.constant 1 : i32
    %add3A_791 = arith.addi %mul3A_0, %add3A_790 : i32
    %dma_start3A_792 = arith.constant 0 : i32
    %dma_start3A_793 = tpu.memref_slice %arg4[%add3A_791, %dma_start3A_792] : memref<64x1024xf32, #tpu.memory_space<hbm>> -> memref<1x1024xf32, #tpu.memory_space<hbm>>
    %dma_start3A_794 = tpu.memref_squeeze %dma_start3A_793 : memref<1x1024xf32, #tpu.memory_space<hbm>> -> memref<1024xf32, #tpu.memory_space<hbm>>
    %dma_start3A_795 = arith.constant 0 : i32
    %dma_start3A_796 = tpu.memref_slice %arg4[%add3A_791, %dma_start3A_795] : memref<64x1024xf32, #tpu.memory_space<hbm>> -> memref<1x1024xf32, #tpu.memory_space<hbm>>
    %dma_start3A_797 = tpu.memref_squeeze %dma_start3A_796 : memref<1x1024xf32, #tpu.memory_space<hbm>> -> memref<1024xf32, #tpu.memory_space<hbm>>
    tpu.enqueue_dma source(%arg10 : memref<1024xf32, #tpu.memory_space<vmem>>) target(%dma_start3A_797 : memref<1024xf32, #tpu.memory_space<hbm>>) target_semaphore(%arg14 : memref<!tpu.dma_semaphore, #tpu.memory_space<semaphore_mem>>)
    %dma_wait3A_798 = arith.constant 0 : i32
    %dma_wait3A_799 = tpu.memref_slice %arg3[%add3A_575, %dma_wait3A_798] : memref<131072x1024xf32, #tpu.memory_space<hbm>> -> memref<1x1024xf32, #tpu.memory_space<hbm>>
    %dma_wait3A_800 = tpu.memref_squeeze %dma_wait3A_799 : memref<1x1024xf32, #tpu.memory_space<hbm>> -> memref<1024xf32, #tpu.memory_space<hbm>>
    %dma_wait3A_801 = arith.constant 0 : i32
    %dma_wait3A_802 = tpu.memref_slice %arg3[%add3A_575, %dma_wait3A_801] : memref<131072x1024xf32, #tpu.memory_space<hbm>> -> memref<1x1024xf32, #tpu.memory_space<hbm>>
    %dma_wait3A_803 = tpu.memref_squeeze %dma_wait3A_802 : memref<1x1024xf32, #tpu.memory_space<hbm>> -> memref<1024xf32, #tpu.memory_space<hbm>>
    tpu.wait_dma2 semaphore(%arg15 : memref<!tpu.dma_semaphore, #tpu.memory_space<semaphore_mem>>) src(%dma_wait3A_803 : memref<1024xf32, #tpu.memory_space<hbm>>) dst(%arg11 : memref<1024xf32, #tpu.memory_space<vmem>>)
    %add3A_804 = arith.constant 2 : i32
    %add3A_805 = arith.addi %mul3A_0, %add3A_804 : i32
    %dma_start3A_806 = arith.constant 0 : i32
    %dma_start3A_807 = tpu.memref_slice %arg4[%add3A_805, %dma_start3A_806] : memref<64x1024xf32, #tpu.memory_space<hbm>> -> memref<1x1024xf32, #tpu.memory_space<hbm>>
    %dma_start3A_808 = tpu.memref_squeeze %dma_start3A_807 : memref<1x1024xf32, #tpu.memory_space<hbm>> -> memref<1024xf32, #tpu.memory_space<hbm>>
    %dma_start3A_809 = arith.constant 0 : i32
    %dma_start3A_810 = tpu.memref_slice %arg4[%add3A_805, %dma_start3A_809] : memref<64x1024xf32, #tpu.memory_space<hbm>> -> memref<1x1024xf32, #tpu.memory_space<hbm>>
    %dma_start3A_811 = tpu.memref_squeeze %dma_start3A_810 : memref<1x1024xf32, #tpu.memory_space<hbm>> -> memref<1024xf32, #tpu.memory_space<hbm>>
    tpu.enqueue_dma source(%arg11 : memref<1024xf32, #tpu.memory_space<vmem>>) target(%dma_start3A_811 : memref<1024xf32, #tpu.memory_space<hbm>>) target_semaphore(%arg15 : memref<!tpu.dma_semaphore, #tpu.memory_space<semaphore_mem>>)
    %dma_wait3A_812 = arith.constant 0 : i32
    %dma_wait3A_813 = tpu.memref_slice %arg3[%add3A_763, %dma_wait3A_812] : memref<131072x1024xf32, #tpu.memory_space<hbm>> -> memref<1x1024xf32, #tpu.memory_space<hbm>>
    %dma_wait3A_814 = tpu.memref_squeeze %dma_wait3A_813 : memref<1x1024xf32, #tpu.memory_space<hbm>> -> memref<1024xf32, #tpu.memory_space<hbm>>
    %dma_wait3A_815 = arith.constant 0 : i32
    %dma_wait3A_816 = tpu.memref_slice %arg3[%add3A_763, %dma_wait3A_815] : memref<131072x1024xf32, #tpu.memory_space<hbm>> -> memref<1x1024xf32, #tpu.memory_space<hbm>>
    %dma_wait3A_817 = tpu.memref_squeeze %dma_wait3A_816 : memref<1x1024xf32, #tpu.memory_space<hbm>> -> memref<1024xf32, #tpu.memory_space<hbm>>
    tpu.wait_dma2 semaphore(%arg16 : memref<!tpu.dma_semaphore, #tpu.memory_space<semaphore_mem>>) src(%dma_wait3A_817 : memref<1024xf32, #tpu.memory_space<hbm>>) dst(%arg12 : memref<1024xf32, #tpu.memory_space<vmem>>)
    %add3A_818 = arith.constant 3 : i32
    %add3A_819 = arith.addi %mul3A_0, %add3A_818 : i32
    %dma_start3A_820 = arith.constant 0 : i32
    %dma_start3A_821 = tpu.memref_slice %arg4[%add3A_819, %dma_start3A_820] : memref<64x1024xf32, #tpu.memory_space<hbm>> -> memref<1x1024xf32, #tpu.memory_space<hbm>>
    %dma_start3A_822 = tpu.memref_squeeze %dma_start3A_821 : memref<1x1024xf32, #tpu.memory_space<hbm>> -> memref<1024xf32, #tpu.memory_space<hbm>>
    %dma_start3A_823 = arith.constant 0 : i32
    %dma_start3A_824 = tpu.memref_slice %arg4[%add3A_819, %dma_start3A_823] : memref<64x1024xf32, #tpu.memory_space<hbm>> -> memref<1x1024xf32, #tpu.memory_space<hbm>>
    %dma_start3A_825 = tpu.memref_squeeze %dma_start3A_824 : memref<1x1024xf32, #tpu.memory_space<hbm>> -> memref<1024xf32, #tpu.memory_space<hbm>>
    tpu.enqueue_dma source(%arg12 : memref<1024xf32, #tpu.memory_space<vmem>>) target(%dma_start3A_825 : memref<1024xf32, #tpu.memory_space<hbm>>) target_semaphore(%arg16 : memref<!tpu.dma_semaphore, #tpu.memory_space<semaphore_mem>>)
    %dma_wait3A_826 = arith.constant 0 : i32
    %dma_wait3A_827 = tpu.memref_slice %arg4[%add3A_777, %dma_wait3A_826] : memref<64x1024xf32, #tpu.memory_space<hbm>> -> memref<1x1024xf32, #tpu.memory_space<hbm>>
    %dma_wait3A_828 = tpu.memref_squeeze %dma_wait3A_827 : memref<1x1024xf32, #tpu.memory_space<hbm>> -> memref<1024xf32, #tpu.memory_space<hbm>>
    %dma_wait3A_829 = arith.constant 0 : i32
    %dma_wait3A_830 = tpu.memref_slice %arg4[%add3A_777, %dma_wait3A_829] : memref<64x1024xf32, #tpu.memory_space<hbm>> -> memref<1x1024xf32, #tpu.memory_space<hbm>>
    %dma_wait3A_831 = tpu.memref_squeeze %dma_wait3A_830 : memref<1x1024xf32, #tpu.memory_space<hbm>> -> memref<1024xf32, #tpu.memory_space<hbm>>
    tpu.wait_dma2 semaphore(%arg13 : memref<!tpu.dma_semaphore, #tpu.memory_space<semaphore_mem>>) src(%arg9 : memref<1024xf32, #tpu.memory_space<vmem>>) dst(%dma_wait3A_831 : memref<1024xf32, #tpu.memory_space<hbm>>)
    %dma_wait3A_832 = arith.constant 0 : i32
    %dma_wait3A_833 = tpu.memref_slice %arg4[%add3A_791, %dma_wait3A_832] : memref<64x1024xf32, #tpu.memory_space<hbm>> -> memref<1x1024xf32, #tpu.memory_space<hbm>>
    %dma_wait3A_834 = tpu.memref_squeeze %dma_wait3A_833 : memref<1x1024xf32, #tpu.memory_space<hbm>> -> memref<1024xf32, #tpu.memory_space<hbm>>
    %dma_wait3A_835 = arith.constant 0 : i32
    %dma_wait3A_836 = tpu.memref_slice %arg4[%add3A_791, %dma_wait3A_835] : memref<64x1024xf32, #tpu.memory_space<hbm>> -> memref<1x1024xf32, #tpu.memory_space<hbm>>
    %dma_wait3A_837 = tpu.memref_squeeze %dma_wait3A_836 : memref<1x1024xf32, #tpu.memory_space<hbm>> -> memref<1024xf32, #tpu.memory_space<hbm>>
    tpu.wait_dma2 semaphore(%arg14 : memref<!tpu.dma_semaphore, #tpu.memory_space<semaphore_mem>>) src(%arg10 : memref<1024xf32, #tpu.memory_space<vmem>>) dst(%dma_wait3A_837 : memref<1024xf32, #tpu.memory_space<hbm>>)
    %dma_wait3A_838 = arith.constant 0 : i32
    %dma_wait3A_839 = tpu.memref_slice %arg4[%add3A_805, %dma_wait3A_838] : memref<64x1024xf32, #tpu.memory_space<hbm>> -> memref<1x1024xf32, #tpu.memory_space<hbm>>
    %dma_wait3A_840 = tpu.memref_squeeze %dma_wait3A_839 : memref<1x1024xf32, #tpu.memory_space<hbm>> -> memref<1024xf32, #tpu.memory_space<hbm>>
    %dma_wait3A_841 = arith.constant 0 : i32
    %dma_wait3A_842 = tpu.memref_slice %arg4[%add3A_805, %dma_wait3A_841] : memref<64x1024xf32, #tpu.memory_space<hbm>> -> memref<1x1024xf32, #tpu.memory_space<hbm>>
    %dma_wait3A_843 = tpu.memref_squeeze %dma_wait3A_842 : memref<1x1024xf32, #tpu.memory_space<hbm>> -> memref<1024xf32, #tpu.memory_space<hbm>>
    tpu.wait_dma2 semaphore(%arg15 : memref<!tpu.dma_semaphore, #tpu.memory_space<semaphore_mem>>) src(%arg11 : memref<1024xf32, #tpu.memory_space<vmem>>) dst(%dma_wait3A_843 : memref<1024xf32, #tpu.memory_space<hbm>>)
    %dma_wait3A_844 = arith.constant 0 : i32
    %dma_wait3A_845 = tpu.memref_slice %arg4[%add3A_819, %dma_wait3A_844] : memref<64x1024xf32, #tpu.memory_space<hbm>> -> memref<1x1024xf32, #tpu.memory_space<hbm>>
    %dma_wait3A_846 = tpu.memref_squeeze %dma_wait3A_845 : memref<1x1024xf32, #tpu.memory_space<hbm>> -> memref<1024xf32, #tpu.memory_space<hbm>>
    %dma_wait3A_847 = arith.constant 0 : i32
    %dma_wait3A_848 = tpu.memref_slice %arg4[%add3A_819, %dma_wait3A_847] : memref<64x1024xf32, #tpu.memory_space<hbm>> -> memref<1x1024xf32, #tpu.memory_space<hbm>>
    %dma_wait3A_849 = tpu.memref_squeeze %dma_wait3A_848 : memref<1x1024xf32, #tpu.memory_space<hbm>> -> memref<1024xf32, #tpu.memory_space<hbm>>
    tpu.wait_dma2 semaphore(%arg16 : memref<!tpu.dma_semaphore, #tpu.memory_space<semaphore_mem>>) src(%arg12 : memref<1024xf32, #tpu.memory_space<vmem>>) dst(%dma_wait3A_849 : memref<1024xf32, #tpu.memory_space<hbm>>)
    return
  }
}

</mosaic_0001>

<sc_bundles>
// kernel: kernel.3.cloned.1.call-start
scs
__scs_entry_jumppad:
0x0: {  	(pc) =	sbr.rel $0x88, $3  }
0x1: {  	(tag) =	ssettag $0x0;
	lr =	simm.s32 $0x1  }
0x2: {  	[smem:$0x3F9F] =	sst lr;
	_ =	strace $0xD0000000  }
0x3: {  	_ = 	snop  }
0x4: {  	_ = 	snop  }
0x5: {  	_ = 	snop  }
0x6: {  	_ = 	snop  }
0x7: {  	_ = 	snop  }
__scs_overlays_trampoline_lowered:
0x8: {  	[smem:$0x3FAE] =	sst s0  }
0x9: {  	[smem:$0x3FAF] =	sst s1  }
0xa: {  	[smem:$0x3FB0] =	sst s2  }
0xb: {  	[smem:$0x3FB1] =	sst s3  }
0xc: {  	[smem:$0x3FB2] =	sst s4  }
0xd: {  	[smem:$0x3FB3] =	sst s5  }
0xe: {  	[smem:$0x3FB4] =	sst s6  }
0xf: {  	[smem:$0x3FB5] =	sst s7  }
0x10: {  	[smem:$0x3FB6] =	sst s8  }
0x11: {  	[smem:$0x3FB7] =	sst s9;
	s0 =	simm.s32 @!p0 $0x0  }
0x12: {  	s1 =	sld [smem:$0x3F9D];
	s0 =	simm.s32 @p0 $0x1  }
0x13: {  	[smem:$0x3FB8] =	sst s0;
	s0 =	simm.s32 @!p1 $0x0  }
0x14: {  	s2 =	sld [smem:$0x3F9C];
	s0 =	simm.s32 @p1 $0x1  }
0x15: {  	[smem:$0x3FB9] =	sst s0;
	s0 =	simm.s32 @!p2 $0x0  }
0x16: {  	s3 =	sld [smem:$0x3FDB];
	s0 =	simm.s32 @p2 $0x1  }
0x17: {  	s4 =	simm.s32 $0x1BF5;
	[smem:$0x3FBB] =	sst s0  }
0x18: {  	s0 =	sld [smem:$0x3F9E];
	_ =	swait.ge [sflag:s4], $0x0  }
0x19: {  	s7 =	sld [smem:$0x3F9F]  }
0x1a: {  	s8 =	sadd.s32 $0xFFFFE003, lr  }
0x1b: {  	s9 =	sadd.s32 $0xFFFFFEF7, lr;
	s5 =	simm.s32 $0xFFFFFFFF;
	p2 =	slt.u32 s8, $0xFFFFF086  }
0x1c: {  	p1 =	slt.u32 s9, $0xF7A;
	s5 =	simm.s32 @!p2 $0x0  }
0x1d: {  	s5 =	simm.s32 @p1 $0x1;
	p0 =	seq.s32 s7, s2  }
0x1e: {  	s7 =	smul.u32 @!p0 $0xF7A, s2;
	p2 =	seq.s32 @!p0 s5, $0x0  }
0x1f: {  	s9 =	smul.u32 $0xF7A, s1;
	s8 =	simm.s32 @!p0 $0x1BF5;
	p2 =	por !p2, p0  }
0x20: {  	[sflag:s8] =	ssyncset.s32 @!p0 $0xFFFFF086;
	s6 =	sadd.s32 @!p0 s3, s7;
	s7 =	simm.s32 @!p0 $0x108  }
0x21: {  	s3 =	sadd.s32 s3, s9;
	s6 =	sadd.s32 @!p0 $0x88, s6;
	s7 =	simm.s32 @p2 $0x1082  }
0x22: {  	[simem:s7], [sflag:s8] =	dma.local @!p0 [hbm:s6], $0xF7A  }
0x23: {  	s9 =	sor.u32 $0xD0000000, s2;
	s6 =	simm.s32 $0x108;
	_ =	swait.ge @!p0 [sflag:s8], $0x0  }
0x24: {  	s3 =	sadd.s32 $0x88, s3;
	s6 =	simm.s32 @!p1 $0x1082;
	[sflag:s4] =	ssyncset.s32 $0xFFFFF086  }
0x25: {  	[simem:s6], [sflag:s4] =	dma.local [hbm:s3], $0xF7A  }
0x26: {  	[smem:$0x3F9F] =	sst s1;
	(tag) =	ssettag s2;
	_ =	strace s9  }
0x27: {  	s1 =	sld [smem:$0x3FAF]  }
0x28: {  	s2 =	sld [smem:$0x3FB0]  }
0x29: {  	s4 =	sld [smem:$0x3FB2]  }
0x2a: {  	p0 =	seq.s32 s5, $0x0;
	s5 =	sld [smem:$0x3FB3]  }
0x2b: {  	s6 =	sld [smem:$0x3FB4]  }
0x2c: {  	s7 =	sld [smem:$0x3FB5]  }
0x2d: {  	s3 =	simm.s32 $0x108;
	s8 =	sld [smem:$0x3FB6]  }
0x2e: {  	s3 =	simm.s32 @!p0 $0x1082;
	s9 =	sld [smem:$0x3FB7]  }
0x2f: {  	lr =	sadd.s32 s0, s3;
	s0 =	sld [smem:$0x3FAE]  }
0x30: {  	s3 =	sld [smem:$0x3FB1]  }
0x31: {  	[smem:$0x3FBA] =	sst s10  }
0x32: {  	s10 =	sld [smem:$0x3FB8];
	_ =	sdelay $0x3  }
0x33: {  	p0 =	seq.s32 s10, $0x1;
	s10 =	sld [smem:$0x3FBA];
	_ =	sdelay $0x3  }
0x34: {  	[smem:$0x3FBA] =	sst s10  }
0x35: {  	s10 =	sld [smem:$0x3FB9];
	_ =	sdelay $0x3  }
0x36: {  	p1 =	seq.s32 s10, $0x1;
	s10 =	sld [smem:$0x3FBA];
	_ =	sdelay $0x3  }
0x37: {  	[smem:$0x3FBA] =	sst s10  }
0x38: {  	s10 =	sld [smem:$0x3FBB]  }
0x39: {  	_ = 	snop;
	(pc) =	sbr.ind lr, $3  }
0x3a: {  	_ = 	snop  }
0x3b: {  	_ = 	snop  }
0x3c: {  	p2 =	seq.s32 s10, $0x1;
	s10 =	sld [smem:$0x3FBA]  }
0x3d: {  	_ =	shalt  }
0x3e: {  	_ =	shalt  }
0x3f: {  	_ =	shalt  }
0x40: {  	_ =	shalt  }
0x41: {  	_ =	shalt  }
0x42: {  	_ =	shalt  }
0x43: {  	_ =	shalt  }
0x44: {  	_ =	shalt  }
0x45: {  	_ =	shalt  }
0x46: {  	_ =	shalt  }
0x47: {  	_ =	shalt  }
0x48: {  	_ =	shalt  }
0x49: {  	_ =	shalt  }
0x4a: {  	_ =	shalt  }
0x4b: {  	_ =	shalt  }
0x4c: {  	_ =	shalt  }
0x4d: {  	_ =	shalt  }
0x4e: {  	_ =	shalt  }
0x4f: {  	_ =	shalt  }
0x50: {  	_ =	shalt  }
0x51: {  	_ =	shalt  }
0x52: {  	_ =	shalt  }
0x53: {  	_ =	shalt  }
0x54: {  	_ =	shalt  }
0x55: {  	_ =	shalt  }
0x56: {  	_ =	shalt  }
0x57: {  	_ =	shalt  }
0x58: {  	_ =	shalt  }
0x59: {  	_ =	shalt  }
0x5a: {  	_ =	shalt  }
0x5b: {  	_ =	shalt  }
0x5c: {  	_ =	shalt  }
0x5d: {  	_ =	shalt  }
0x5e: {  	_ =	shalt  }
0x5f: {  	_ =	shalt  }
0x60: {  	_ =	shalt  }
0x61: {  	_ =	shalt  }
0x62: {  	_ =	shalt  }
0x63: {  	_ =	shalt  }
0x64: {  	_ =	shalt  }
0x65: {  	_ =	shalt  }
0x66: {  	_ =	shalt  }
0x67: {  	_ =	shalt  }
0x68: {  	_ =	shalt  }
0x69: {  	_ =	shalt  }
0x6a: {  	_ =	shalt  }
0x6b: {  	_ =	shalt  }
0x6c: {  	_ =	shalt  }
0x6d: {  	_ =	shalt  }
0x6e: {  	_ =	shalt  }
0x6f: {  	_ =	shalt  }
0x70: {  	_ =	shalt  }
0x71: {  	_ =	shalt  }
0x72: {  	_ =	shalt  }
0x73: {  	_ =	shalt  }
0x74: {  	_ =	shalt  }
0x75: {  	_ =	shalt  }
0x76: {  	_ =	shalt  }
0x77: {  	_ =	shalt  }
0x78: {  	_ =	shalt  }
0x79: {  	_ =	shalt  }
0x7a: {  	_ =	shalt  }
0x7b: {  	_ =	shalt  }
0x7c: {  	_ =	shalt  }
0x7d: {  	_ =	shalt  }
0x7e: {  	_ =	shalt  }
0x7f: {  	_ =	shalt  }
0x80: {  	_ =	shalt  }
0x81: {  	_ =	shalt  }
0x82: {  	_ =	shalt  }
0x83: {  	_ =	shalt  }
0x84: {  	_ =	shalt  }
0x85: {  	_ =	shalt  }
0x86: {  	_ =	shalt  }
0x87: {  	_ =	shalt  }
.Lfunc_end0:
.L_simem_size_0:
called_computation_lowered:
.L_overlay_start_0:
0x88: {  	s0 =	sld [smem:$0x3FD9]  }
0x89: {  	s1 =	sld [smem:$0x3FFE];
	_ =	sdelay $0x3  }
0x8a: {  	s0 =	sadd.s32 s1, s0  }
0x8b: {  	[smem:$0x3FC6] =	sst s0  }
0x8c: {  	_ = 	snop  }
0x8d: {  	s0 =	sld [smem:$0x3FC9]  }
0x8e: {  	s17 =	sld [smem:$0x3FC8]  }
0x8f: {  	s2 =	sld [smem:$0x3FD0];
	(tm) =	ssettm $0x1  }
0x90: {  	s3 =	sld [smem:$0x3FFB];
	_ =	sdelay $0x3  }
0x91: {  	_ =	strace s3  }
0x92: {  	s3 =	sld [smem:$0x3FFC];
	_ =	sdelay $0x3  }
0x93: {  	_ =	strace s3  }
0x94: {  	s3 =	sld [smem:$0x3FFD];
	_ =	sdelay $0x3  }
0x95: {  	_ =	strace s3  }
0x96: {  	_ =	strace $0x8FFFFFFF  }
0x97: {  	s18 =	sld [smem:$0x3FDB];
	_ =	sdelay $0x1  }
0x98: {  	s4 =	simm.s32 $_scs_section_size  }
0x99: {  	s5 =	simm.s32 $_size__tile_overlayer_lowered;
	s6 =	simm.s32 $_tile_overlayer_lowered  }
0x9a: {  	s21 =	simm.s32 $0x1BFF;
	s20 =	sshll.u32 s6, $0x1;
	s3 =	sadd.s32 s4, s18  }
0x9b: {  	s7 =	simm.s32 $0x0;
	s19 =	sshll.u32 s5, $0x1;
	s5 =	sadd.s32 s20, s3  }
0x9c: {  	[timem:s7], [sflag:s21] =	dma.local [hbm:s5], s19  }
0x9d: {  	_ =	swait.ge [sflag:s21], s19  }
0x9e: {  	s4 =	ssub.s32 $0x0, s19;
	[sflag:s21] =	ssyncset.done $0x0  }
0x9f: {  	[sflag:s21] =	ssyncadd.s32 s4;
	_ =	sdelay $0x1  }
0xa0: {  	s22 =	simm.s32 $0x1B8B  }
0xa1: {  	_ =	swait.ge [sflag:s22], $0x1  }
0xa2: {  	[sflag:s22] =	ssyncset.done $0x0  }
0xa3: {  	s23 =	simm.s32 $0x1B8E;
	[sflag:s22] =	ssyncadd.s32 $0xFFFFFFFF  }
0xa4: {  	s24 =	simm.s32 $execute0_lowered;
	[smem:$0x3FD2] =	sst s23  }
0xa5: {  	s4 =	sshll.u32 s24, $0x1;
	_ =	strace $0x80000046;
	[dreg:$0x1] =	wrdreg $0xFFFFFFFF  }
0xa6: {  	s25 =	simm.s32 $_size_execute0_lowered;
	s3 =	sadd.s32 s3, s4;
	[dreg:$0x0] =	wrdreg $0x0  }
0xa7: {  	s4 =	sshll.u32 s25, $0x1;
	[dreg:$0x2] =	wrdreg s3  }
0xa8: {  	[dreg:$0x3] =	wrdreg s4  }
0xa9: {  	[dreg:$0x4] =	wrdreg $0xC0  }
0xaa: {  	_ =	task [dreg:s7], $0x5FFFF  }
0xab: {  	[dreg:$0x1] =	wrdreg $0xFFFFFFFF  }
0xac: {  	[dreg:$0x0] =	wrdreg $0x60  }
0xad: {  	[dreg:$0x2] =	wrdreg s17  }
0xae: {  	[dreg:$0x3] =	wrdreg s0  }
0xaf: {  	[dreg:$0x4] =	wrdreg s2  }
0xb0: {  	[dreg:$0x5] =	wrdreg $0x9  }
0xb1: {  	_ =	task.clear_ibuf [dreg:s7], $0x6FFFF;
	_ =	strace $0x90000046  }
0xb2: {  	s26 =	simm.s32 $0x9;
	_ =	strace $0x80000048  }
0xb3: {  	_ =	swait.ge [sflag:s26], $0x1  }
0xb4: {  	[sflag:s26] =	ssyncadd.s32 $0xFFFFFFFF  }
0xb5: {  	_ =	strace $0x90000048  }
0xb6: {  	_ =	sfence  }
0xb7: {  	s28 =	sld [smem:$0x0];
	_ =	sdelay $0x1  }
0xb8: {  	s29 =	srdreg.scid  }
0xb9: {  	s30 =	sshll.u32 s29, $0xD;
	s31 =	sshrl.u32 s29, $0x2  }
0xba: {  	s1 =	sand.u32 $0x1, s29;
	s2 =	sand.u32 $0x4000, s30;
	s0 =	sadd.s32 s31, s28  }
0xbb: {  	s1 =	sor.u32 s2, s1;
	s0 =	sshll.u32 s0, $0x11  }
0xbc: {  	s0 =	sor.u32 s0, s1  }
0xbd: {  	s0 =	sadd.s32 $0x8F2B, s0  }
0xbe: {  	[sflag:s0] =	ssyncadd.remote.s32 $0x1  }
0xbf: {  	_ =	sfence.sel $0xFFFF  }
0xc0: {  	[dreg:$0x0] =	wrdreg $0xFFFFFFFF;
	(pc) =	sbr.abs _section_cstart, $3  }
0xc1: {  	[dreg:$0x1] =	wrdreg $0xFFFFFFFF  }
0xc2: {  	_ =	task.clear_ibuf [dreg:s7], $0x2FFFF;
	_ =	strace $0x9FFFFFFF  }
0xc3: {  	(tm) =	ssettm $0x7FFFFFFF  }
tec
execute0_lowered:
.L_overlay_start_1:
0x0: {  	(tag) =	ssettag $0x1  }
0x1: {  	s12 =	rddreg [dreg:$0x0]  }
0x2: {  	s5 =	rddreg [dreg:$0x1]  }
0x3: {  	s2 =	rddreg [dreg:$0x2]  }
0x4: {  	s0 =	rddreg [dreg:$0x3]  }
0x5: {  	s3 =	simm.s32 $0x0;
	s1 =	stileid.u32;
	s17 =	simm.s32 $0x80  }
0x6: {  	s18 =	simm.s32 $0x400;
	s23 =	simm.s32 $0x800;
	[smem:$0x7FF] =	sst s3  }
0x7: {  	s4 =	sshll.u32 s1, $0x2;
	s7 =	sshrl.u32 s1, $0x1;
	s6 =	sshll.u32 s1, $0x9  }
0x8: {  	s8 =	sand.u32 $0x200, s6;
	s13 =	sshll.u32 s7, $0xE;
	s11 =	sor.u32 $0x1, s4  }
0x9: {  	_ =	strace $0x80000047;
	s10 =	sor.u32 $0x2, s4;
	s6 =	sor.u32 s8, s13  }
0xa: {  	s9 =	sshll.u32 s11, $0x7;
	s20 =	sshll.u32 s10, $0x7;
	s14 =	sshrl.u32 s6, $0x3  }
0xb: {  	s6 =	sand.u32 $0x280, s9;
	s4 =	sand.u32 $0x300, s20;
	s9 =	sshllo.u32 s1, $0x2  }
0xc: {  	s14 =	sadd.s32 s12, s14;
	s19 =	sor.u32 s13, s6;
	s16 =	sshll.u32 s9, $0x7  }
0xd: {  	[tilespmem:s3], [sflag:$0x1] =	stream.strided.gather [hbm4b:s14+s17], $0x800, s18, s17, $0x38;
	[tilespmem:$0x3000] =	vst v63  }
0xe: {  	s22 =	sor.u32 s13, s4;
	s15 =	sshrl.u32 s19, $0x3;
	s3 =	sand.u32 $0x380, s16  }
0xf: {  	s21 =	sadd.s32 s12, s15;
	s15 =	sshrl.u32 s22, $0x3;
	s13 =	sor.u32 s13, s3  }
0x10: {  	[tilespmem:s23], [sflag:$0x2] =	stream.strided.gather [hbm4b:s21+s17], $0x800, s18, s17, $0x38;
	[tilespmem:$0x3000] =	vst v63  }
0x11: {  	s25 =	simm.s32 $0x1000;
	s24 =	sadd.s32 s12, s15;
	s13 =	sshrl.u32 s13, $0x3  }
0x12: {  	[tilespmem:s25], [sflag:$0x3] =	stream.strided.gather [hbm4b:s24+s17], $0x800, s18, s17, $0x38;
	[tilespmem:$0x3000] =	vst v63  }
0x13: {  	s26 =	simm.s32 $0x1800;
	s28 =	simm.s32 $0x1;
	s12 =	sadd.s32 s12, s13  }
0x14: {  	[tilespmem:s26], [sflag:$0x4] =	stream.strided.gather [hbm4b:s12+s17], $0x800, s18, s17, $0x38;
	[tilespmem:$0x3000] =	vst v63  }
0x15: {  	_ =	swait.ge [sflag:s28], $0x800  }
0x16: {  	[sflag:s28] =	ssyncset.done $0x0  }
0x17: {  	s29 =	simm.s32 $0x40;
	[sflag:s28] =	ssyncadd.s32 $0xFFFFF800  }
0x18: {  	v0 =	vld [tilespmem:s29+$0xFFFFFFC0]  }
0x19: {  	v1 =	vld [tilespmem:s29+$0x0]  }
0x1a: {  	v11 =	vld [tilespmem:s29+$0xFFFFFFE0]  }
0x1b: {  	v12 =	vld [tilespmem:s29+$0xFFFFFFF0]  }
0x1c: {  	v3 =	vld [tilespmem:s29+$0xFFFFFFD0]  }
0x1d: {  	v13 =	vld [tilespmem:s29+$0x20]  }
0x1e: {  	v7 =	vimm.f32 $-Inf;
	v14 =	vld [tilespmem:s29+$0x30]  }
0x1f: {  	v5 =	vimm.s32 $0x0;
	s30 =	simm.s32 $0x0;
	s12 =	simm.s32 $0xC0;
	v2 =	vld [tilespmem:s29+$0x10];
	vm0 =	vgt.f32 v0, v7;
	vm2 =	vgt.f32 v11, v7  }
0x20: {  	v8 =	vld [tilespmem:s12+$0x0];
	vm3 =	vgt.f32 v12, v7;
	v0 =	vsel vm0, v0, v7;
	v4 =	vsel vm0, s30, v5  }
0x21: {  	s31 =	simm.s32 $0x4;
	v9 =	vld [tilespmem:s12+$0xFFFFFFC0];
	vm0 =	vgt.f32 v3, v7;
	v15 =	vsel vm2, v11, v7;
	vm1 =	vgt.f32 v1, v0  }
0x22: {  	v12 =	vsel vm3, v12, v7;
	vm4 =	vgt.f32 v13, v15;
	v6 =	vsel vm1, s31, v4;
	v4 =	vld [tilespmem:s12+$0x10]  }
0x23: {  	vm5 =	vgt.f32 v14, v12;
	v10 =	vsel vm1, v1, v0;
	v0 =	vsel vm0, v3, v7;
	v3 =	vld [tilespmem:s12+$0xFFFFFFD0]  }
0x24: {  	s14 =	simm.s32 $0x7;
	s16 =	simm.s32 $0x2;
	v1 =	vld [tilespmem:s12+$0xFFFFFFE0];
	v7 =	vsel vm4, v13, v15;
	v13 =	vimm.s32 $0x0;
	vm1 =	vgt.f32 v2, v0  }
0x25: {  	s15 =	simm.s32 $0x17;
	s13 =	simm.s32 $0xF;
	s17 =	simm.s32 $0x3;
	v11 =	vsel vm1, v2, v0;
	v0 =	vld [tilespmem:s12+$0xFFFFFFF0];
	v2 =	vsel vm5, v14, v12;
	v12 =	vimm.s32 $0x0  }
.LBB2_1:
0x26: {  	p0 =	sne.s32 s15, $0x7F;
	vm6 =	vgt.f32 v9, v10;
	v14 =	vld [tilespmem:s12+$0x20];
	v5 =	vsel vm2, s16, v5;
	v13 =	vsel vm3, s17, v13;
	s16 =	sadd.s32 $0xFFFFFFFF, s14  }
0x27: {  	s17 =	sadd.s32 $0xFFFFFFF9, s13;
	s18 =	sadd.s32 $0xFFFFFFFA, s14;
	v10 =	vsel vm6, v9, v10;
	v15 =	vld [tilespmem:s12+$0x30];
	s12 =	sadd.s32 $0x80, s12;
	v5 =	vsel vm4, s16, v5;
	v13 =	vsel vm5, s14, v13;
	v16 =	vmovc v4  }
0x28: {  	v4 =	vsel vm6, s17, v6;
	s16 =	sadd.s32 $0xFFFFFFFD, s13;
	v12 =	vsel vm0, s18, v12;
	s17 =	sadd.s32 $0xFFFFFFFE, s14;
	s14 =	smov.u32 s13;
	v17 =	vld [tilespmem:s12+$0x0];
	vm2 =	vgt.f32 v8, v10  }
.Ltmp0:
0x29: {  	s13 =	smov.u32 s15;
	v12 =	vsel vm1, s17, v12;
	v9 =	vld [tilespmem:s12+$0xFFFFFFC0];
	v10 =	vsel vm2, v8, v10;
	v6 =	vsel vm2, s16, v4;
	(pc) =	sbr.rel @p0 .LBB2_1-.Ltmp0, $4  }
0x2a: {  	vm0 =	vgt.f32 v3, v11;
	vm2 =	vgt.f32 v1, v7;
	v4 =	vld [tilespmem:s12+$0x10];
	vm3 =	vgt.f32 v0, v2  }
0x2b: {  	v18 =	vsel vm0, v3, v11;
	v7 =	vsel vm2, v1, v7;
	v3 =	vld [tilespmem:s12+$0xFFFFFFD0];
	v2 =	vsel vm3, v0, v2  }
0x2c: {  	vm1 =	vgt.f32 v16, v18;
	vm4 =	vgt.f32 v14, v7;
	v1 =	vld [tilespmem:s12+$0xFFFFFFE0];
	vm5 =	vgt.f32 v15, v2  }
0x2d: {  	s15 =	sadd.s32 $0x8, s15;
	s17 =	sadd.s32 $0xFFFFFFFC, s14;
	s16 =	sadd.s32 $0xFFFFFFFB, s14;
	v11 =	vsel vm1, v16, v18;
	v7 =	vsel vm4, v14, v7;
	v0 =	vld [tilespmem:s12+$0xFFFFFFF0];
	v2 =	vsel vm5, v15, v2;
	v8 =	vmovc v17  }
0x2e: {  	vm6 =	vgt.f32 v9, v10  }
0x2f: {  	v5 =	vsel vm2, s16, v5;
	v13 =	vsel vm3, s17, v13;
	s15 =	sadd.s32 $0xFFFFFFFF, s14;
	s28 =	sadd.s32 $0xFFFFFFF9, s13;
	v9 =	vsel vm6, v9, v10  }
0x30: {  	s29 =	sadd.s32 $0xFFFFFFFA, s14;
	v5 =	vsel vm4, s15, v5;
	v10 =	vsel vm5, s14, v13;
	v6 =	vsel vm6, s28, v6  }
0x31: {  	s30 =	sadd.s32 $0xFFFFFFFE, s14;
	v13 =	vld [tilespmem:s12+$0x20];
	v12 =	vsel vm0, s29, v12;
	vm2 =	vgt.f32 v8, v9;
	vm0 =	vgt.f32 v3, v11  }
0x32: {  	s31 =	sadd.s32 $0xFFFFFFFD, s13;
	s16 =	sadd.s32 $0xFFFFFFFA, s13;
	v8 =	vsel vm2, v8, v9;
	v9 =	vsel vm1, s30, v12;
	v3 =	vsel vm0, v3, v11  }
0x33: {  	s17 =	sadd.s32 $0xFFFFFFFE, s13;
	v6 =	vsel vm2, s31, v6;
	vm1 =	vgt.f32 v4, v3;
	v9 =	vsel vm0, s16, v9  }
0x34: {  	vm0 =	vgt.f32 v1, v7;
	v3 =	vsel vm1, v4, v3;
	v4 =	vsel vm1, s17, v9  }
0x35: {  	v1 =	vsel vm0, v1, v7;
	vm1 =	veq.f32 v3, v8;
	vm2 =	vlt.s32 v4, v6  }
0x36: {  	s18 =	sadd.s32 $0xFFFFFFFB, s13;
	v7 =	vld [tilespmem:s12+$0x30];
	vm3 =	vgt.f32 v13, v1;
	vm4 =	vgt.f32 v3, v8;
	vm1 =	vmand vm1, vm2  }
0x37: {  	s19 =	sadd.s32 $0xFFFFFFFF, s13;
	v5 =	vsel vm0, s18, v5;
	v1 =	vsel vm3, v13, v1;
	vm0 =	vmor vm4, vm1  }
0x38: {  	v5 =	vsel vm3, s19, v5;
	v3 =	vsel vm0, v3, v8;
	v4 =	vsel vm0, v4, v6  }
0x39: {  	vm0 =	vgt.f32 v0, v2;
	vm1 =	veq.f32 v1, v3;
	vm2 =	vlt.s32 v5, v4  }
0x3a: {  	s20 =	sadd.s32 $0xFFFFFFFC, s13;
	v0 =	vsel vm0, v0, v2;
	vm3 =	vgt.f32 v1, v3;
	vm1 =	vmand vm1, vm2  }
0x3b: {  	v2 =	vsel vm0, s20, v10;
	vm2 =	vgt.f32 v7, v0;
	vm0 =	vmor vm3, vm1  }
0x3c: {  	v0 =	vsel vm2, v7, v0;
	v2 =	vsel vm2, s13, v2;
	v1 =	vsel vm0, v1, v3  }
0x3d: {  	v3 =	vsel vm0, v5, v4;
	v4 =	vimm.s32 $0xFEDCBA98;
	v5 =	vimm.s32 $0x76543210  }
0x3e: {  	vm0 =	veq.f32 v0, v1;
	vm1 =	vlt.s32 v2, v3;
	v4 =	vunpack.c.l.s4.s8 v4  }
0x3f: {  	vm2 =	vgt.f32 v0, v1;
	v5 =	vunpack.c.l.s4.s8 v5;
	vm0 =	vmand vm0, vm1  }
0x40: {  	vm0 =	vmor vm2, vm0;
	v4 =	vunpack.c.0.s8.s32 v4  }
0x41: {  	v0 =	vsel vm0, v0, v1;
	v1 =	vsel vm0, v2, v3;
	v2 =	vunpack.c.0.s8.s32 v5  }
0x42: {  	v3 =	vlaneseq.u32;
	v5 =	vimm.s32 $0x32107654;
	v4 =	vand.u32 $0xF, v4  }
0x43: {  	v1 =	vshll.u32 v1, $0x4;
	v2 =	vcombine.low v4, v2;
	v4 =	vimm.s32 $0xBA98FEDC  }
0x44: {  	v1 =	vor.u32 v3, v1;
	v3 =	vunpack.c.l.s4.s8 v4;
	v4 =	vunpack.c.l.s4.s8 v5  }
0x45: {  	v5 =	vperm.xlane v0, v2;
	v2 =	vperm.xlane v1, v2  }
0x46: {  	v3 =	vunpack.c.0.s8.s32 v3;
	v4 =	vunpack.c.0.s8.s32 v4  }
0x47: {  	vm0 =	veq.f32 v5, v0;
	vm1 =	vlt.s32 v2, v1;
	vm2 =	vgt.f32 v5, v0  }
0x48: {  	vm0 =	vmand vm0, vm1;
	v3 =	vcombine.low v4, v3;
	v4 =	vimm.s32 $0xDCFE98BA  }
0x49: {  	vm0 =	vmor vm2, vm0;
	v4 =	vunpack.c.l.s4.s8 v4  }
0x4a: {  	v0 =	vsel vm0, v5, v0;
	v3 =	vand.u32 $0xF, v3;
	v1 =	vsel vm0, v2, v1  }
0x4b: {  	v5 =	vimm.s32 $0x54761032;
	v2 =	vperm.xlane v0, v3;
	v3 =	vperm.xlane v1, v3  }
0x4c: {  	v5 =	vunpack.c.l.s4.s8 v5  }
0x4d: {  	v4 =	vunpack.c.0.s8.s32 v4;
	vm1 =	veq.f32 v2, v0;
	vm2 =	vlt.s32 v3, v1  }
0x4e: {  	vm0 =	vgt.f32 v2, v0;
	v5 =	vunpack.c.0.s8.s32 v5;
	vm1 =	vmand vm1, vm2  }
0x4f: {  	vm0 =	vmor vm0, vm1  }
0x50: {  	v0 =	vsel vm0, v2, v0;
	v2 =	vcombine.low v5, v4  }
0x51: {  	v1 =	vsel vm0, v3, v1;
	v3 =	vimm.s32 $0xEFCDAB89;
	v4 =	vimm.s32 $0x67452301  }
0x52: {  	v3 =	vunpack.c.l.s4.s8 v3;
	v4 =	vunpack.c.l.s4.s8 v4;
	v2 =	vand.u32 $0xF, v2  }
0x53: {  	v5 =	vperm.xlane v0, v2;
	v2 =	vperm.xlane v1, v2  }
0x54: {  	v3 =	vunpack.c.0.s8.s32 v3;
	v4 =	vunpack.c.0.s8.s32 v4  }
0x55: {  	vm0 =	veq.f32 v5, v0;
	vm1 =	vlt.s32 v2, v1  }
0x56: {  	vm2 =	vgt.f32 v5, v0;
	v3 =	vcombine.low v4, v3;
	vm0 =	vmand vm0, vm1  }
0x57: {  	vm0 =	vmor vm2, vm0  }
0x58: {  	v0 =	vsel vm0, v5, v0;
	v1 =	vsel vm0, v2, v1;
	v2 =	vand.u32 $0xF, v3  }
0x59: {  	v3 =	vperm.xlane v0, v2;
	v2 =	vperm.xlane v1, v2;
	_ =	sdelay $0x1  }
0x5a: {  	vm0 =	veq.f32 v3, v0;
	vm1 =	vlt.s32 v2, v1  }
0x5b: {  	vm2 =	vgt.f32 v3, v0;
	vm0 =	vmand vm0, vm1  }
0x5c: {  	vm0 =	vmor vm2, vm0  }
0x5d: {  	v0 =	vsel vm0, v2, v1  }
0x5e: {  	(v2sf) =	vpush v0, $0x0;
	_ =	sdelay $0xe  }
0x5f: {  	s21 =	spop (v2sf)  }
0x60: {  	s22 =	sshll.u32 s1, $0x17;
	s23 =	sshll.u32 s21, $0xA  }
0x61: {  	s12 =	sshll.u32 s21, $0x7;
	s13 =	sadd.s32 s22, s23  }
0x62: {  	s12 =	sand.u32 $0x380, s12;
	s13 =	sand.u32 $0xFFFFE000, s13  }
0x63: {  	s12 =	sor.u32 s12, s13  }
0x64: {  	s24 =	simm.s32 $0x80;
	s25 =	simm.s32 $0x400;
	s12 =	sshrl.u32 s12, $0x3  }
0x65: {  	s26 =	simm.s32 $0x2000;
	s28 =	simm.s32 $0x2;
	s12 =	sadd.s32 s5, s12  }
0x66: {  	[tilespmem:s26], [sflag:$0x1] =	stream.strided.gather [hbm4b:s12+s24], $0x400, s25, s24, $0x38;
	[tilespmem:$0x3000] =	vst v63  }
0x67: {  	_ =	swait.ge [sflag:s28], $0x800  }
0x68: {  	[sflag:s28] =	ssyncset.done $0x0  }
0x69: {  	s29 =	simm.s32 $0x840;
	[sflag:s28] =	ssyncadd.s32 $0xFFFFF800  }
0x6a: {  	v0 =	vld [tilespmem:s29+$0xFFFFFFC0]  }
0x6b: {  	v1 =	vld [tilespmem:s29+$0x0]  }
0x6c: {  	v11 =	vld [tilespmem:s29+$0xFFFFFFE0]  }
0x6d: {  	v12 =	vld [tilespmem:s29+$0xFFFFFFF0]  }
0x6e: {  	v3 =	vld [tilespmem:s29+$0xFFFFFFD0]  }
0x6f: {  	v13 =	vld [tilespmem:s29+$0x20]  }
0x70: {  	v7 =	vimm.f32 $-Inf;
	v14 =	vld [tilespmem:s29+$0x30]  }
0x71: {  	s30 =	simm.s32 $0x0;
	v5 =	vimm.s32 $0x0;
	s12 =	simm.s32 $0x8C0;
	v2 =	vld [tilespmem:s29+$0x10];
	vm0 =	vgt.f32 v0, v7;
	vm2 =	vgt.f32 v11, v7  }
0x72: {  	v8 =	vld [tilespmem:s12+$0x0];
	vm3 =	vgt.f32 v12, v7;
	v0 =	vsel vm0, v0, v7;
	v4 =	vsel vm0, s30, v5  }
0x73: {  	s31 =	simm.s32 $0x4;
	v9 =	vld [tilespmem:s12+$0xFFFFFFC0];
	vm0 =	vgt.f32 v3, v7;
	v15 =	vsel vm2, v11, v7;
	vm1 =	vgt.f32 v1, v0  }
0x74: {  	v12 =	vsel vm3, v12, v7;
	vm4 =	vgt.f32 v13, v15;
	v6 =	vsel vm1, s31, v4;
	v4 =	vld [tilespmem:s12+$0x10]  }
0x75: {  	vm5 =	vgt.f32 v14, v12;
	v10 =	vsel vm1, v1, v0;
	v0 =	vsel vm0, v3, v7;
	v3 =	vld [tilespmem:s12+$0xFFFFFFD0]  }
0x76: {  	s14 =	simm.s32 $0x7;
	s15 =	simm.s32 $0x17;
	v1 =	vld [tilespmem:s12+$0xFFFFFFE0];
	v7 =	vsel vm4, v13, v15;
	v13 =	vimm.s32 $0x0;
	vm1 =	vgt.f32 v2, v0  }
0x77: {  	s16 =	simm.s32 $0x2;
	s17 =	simm.s32 $0x3;
	s13 =	simm.s32 $0xF;
	v11 =	vsel vm1, v2, v0;
	v0 =	vld [tilespmem:s12+$0xFFFFFFF0];
	v2 =	vsel vm5, v14, v12;
	v12 =	vimm.s32 $0x0  }
.LBB2_3:
0x78: {  	p0 =	sne.s32 s15, $0x7F;
	vm6 =	vgt.f32 v9, v10;
	v14 =	vld [tilespmem:s12+$0x20];
	v5 =	vsel vm2, s16, v5;
	v13 =	vsel vm3, s17, v13;
	s16 =	sadd.s32 $0xFFFFFFFF, s14  }
0x79: {  	s17 =	sadd.s32 $0xFFFFFFF9, s13;
	s18 =	sadd.s32 $0xFFFFFFFA, s14;
	v10 =	vsel vm6, v9, v10;
	v15 =	vld [tilespmem:s12+$0x30];
	s12 =	sadd.s32 $0x80, s12;
	v5 =	vsel vm4, s16, v5;
	v13 =	vsel vm5, s14, v13;
	v16 =	vmovc v4  }
0x7a: {  	v4 =	vsel vm6, s17, v6;
	s16 =	sadd.s32 $0xFFFFFFFD, s13;
	v12 =	vsel vm0, s18, v12;
	s17 =	sadd.s32 $0xFFFFFFFE, s14;
	s14 =	smov.u32 s13;
	v17 =	vld [tilespmem:s12+$0x0];
	vm2 =	vgt.f32 v8, v10  }
.Ltmp1:
0x7b: {  	s13 =	smov.u32 s15;
	v12 =	vsel vm1, s17, v12;
	v9 =	vld [tilespmem:s12+$0xFFFFFFC0];
	v10 =	vsel vm2, v8, v10;
	v6 =	vsel vm2, s16, v4;
	(pc) =	sbr.rel @p0 .LBB2_3-.Ltmp1, $4  }
0x7c: {  	vm0 =	vgt.f32 v3, v11;
	vm2 =	vgt.f32 v1, v7;
	v4 =	vld [tilespmem:s12+$0x10];
	vm3 =	vgt.f32 v0, v2  }
0x7d: {  	v18 =	vsel vm0, v3, v11;
	v7 =	vsel vm2, v1, v7;
	v3 =	vld [tilespmem:s12+$0xFFFFFFD0];
	v2 =	vsel vm3, v0, v2  }
0x7e: {  	vm1 =	vgt.f32 v16, v18;
	vm4 =	vgt.f32 v14, v7;
	v1 =	vld [tilespmem:s12+$0xFFFFFFE0];
	vm5 =	vgt.f32 v15, v2  }
0x7f: {  	s15 =	sadd.s32 $0x8, s15;
	s17 =	sadd.s32 $0xFFFFFFFC, s14;
	s16 =	sadd.s32 $0xFFFFFFFB, s14;
	v11 =	vsel vm1, v16, v18;
	v7 =	vsel vm4, v14, v7;
	v0 =	vld [tilespmem:s12+$0xFFFFFFF0];
	v2 =	vsel vm5, v15, v2;
	v8 =	vmovc v17  }
0x80: {  	vm6 =	vgt.f32 v9, v10  }
0x81: {  	v5 =	vsel vm2, s16, v5;
	v13 =	vsel vm3, s17, v13;
	s15 =	sadd.s32 $0xFFFFFFFF, s14;
	s30 =	sadd.s32 $0xFFFFFFF9, s13;
	v9 =	vsel vm6, v9, v10  }
0x82: {  	s31 =	sadd.s32 $0xFFFFFFFA, s14;
	v5 =	vsel vm4, s15, v5;
	v10 =	vsel vm5, s14, v13;
	v6 =	vsel vm6, s30, v6  }
0x83: {  	v13 =	vld [tilespmem:s12+$0x20];
	v12 =	vsel vm0, s31, v12;
	s15 =	sadd.s32 $0xFFFFFFFE, s14;
	vm2 =	vgt.f32 v8, v9;
	vm0 =	vgt.f32 v3, v11  }
0x84: {  	s16 =	sadd.s32 $0xFFFFFFFD, s13;
	s17 =	sadd.s32 $0xFFFFFFFA, s13;
	v8 =	vsel vm2, v8, v9;
	v9 =	vsel vm1, s15, v12;
	v3 =	vsel vm0, v3, v11  }
0x85: {  	s18 =	sadd.s32 $0xFFFFFFFE, s13;
	v6 =	vsel vm2, s16, v6;
	vm1 =	vgt.f32 v4, v3;
	v9 =	vsel vm0, s17, v9  }
0x86: {  	vm0 =	vgt.f32 v1, v7;
	v3 =	vsel vm1, v4, v3;
	v4 =	vsel vm1, s18, v9  }
0x87: {  	v1 =	vsel vm0, v1, v7;
	vm1 =	veq.f32 v3, v8;
	vm2 =	vlt.s32 v4, v6  }
0x88: {  	s19 =	sadd.s32 $0xFFFFFFFB, s13;
	v7 =	vld [tilespmem:s12+$0x30];
	vm3 =	vgt.f32 v13, v1;
	vm4 =	vgt.f32 v3, v8;
	vm1 =	vmand vm1, vm2  }
0x89: {  	s20 =	sadd.s32 $0xFFFFFFFF, s13;
	v5 =	vsel vm0, s19, v5;
	v1 =	vsel vm3, v13, v1;
	vm0 =	vmor vm4, vm1  }
0x8a: {  	v5 =	vsel vm3, s20, v5;
	v3 =	vsel vm0, v3, v8;
	v4 =	vsel vm0, v4, v6  }
0x8b: {  	vm0 =	vgt.f32 v0, v2;
	vm1 =	veq.f32 v1, v3;
	vm2 =	vlt.s32 v5, v4  }
0x8c: {  	s21 =	sadd.s32 $0xFFFFFFFC, s13;
	v0 =	vsel vm0, v0, v2;
	vm3 =	vgt.f32 v1, v3;
	vm1 =	vmand vm1, vm2  }
0x8d: {  	v2 =	vsel vm0, s21, v10;
	vm2 =	vgt.f32 v7, v0;
	vm0 =	vmor vm3, vm1  }
0x8e: {  	v0 =	vsel vm2, v7, v0;
	v2 =	vsel vm2, s13, v2;
	v1 =	vsel vm0, v1, v3  }
0x8f: {  	v3 =	vsel vm0, v5, v4;
	v4 =	vimm.s32 $0xFEDCBA98;
	v5 =	vimm.s32 $0x76543210  }
0x90: {  	vm0 =	veq.f32 v0, v1;
	vm1 =	vlt.s32 v2, v3;
	v4 =	vunpack.c.l.s4.s8 v4  }
0x91: {  	vm2 =	vgt.f32 v0, v1;
	v5 =	vunpack.c.l.s4.s8 v5;
	vm0 =	vmand vm0, vm1  }
0x92: {  	vm0 =	vmor vm2, vm0;
	v4 =	vunpack.c.0.s8.s32 v4  }
0x93: {  	v0 =	vsel vm0, v0, v1;
	v1 =	vsel vm0, v2, v3;
	v2 =	vunpack.c.0.s8.s32 v5  }
0x94: {  	v3 =	vlaneseq.u32;
	v5 =	vimm.s32 $0x32107654;
	v4 =	vand.u32 $0xF, v4  }
0x95: {  	v1 =	vshll.u32 v1, $0x4;
	v2 =	vcombine.low v4, v2;
	v4 =	vimm.s32 $0xBA98FEDC  }
0x96: {  	v1 =	vor.u32 v3, v1;
	v3 =	vunpack.c.l.s4.s8 v4;
	v4 =	vunpack.c.l.s4.s8 v5  }
0x97: {  	v5 =	vperm.xlane v0, v2;
	v2 =	vperm.xlane v1, v2  }
0x98: {  	v3 =	vunpack.c.0.s8.s32 v3;
	v4 =	vunpack.c.0.s8.s32 v4  }
0x99: {  	vm0 =	veq.f32 v5, v0;
	vm1 =	vlt.s32 v2, v1;
	vm2 =	vgt.f32 v5, v0  }
0x9a: {  	vm0 =	vmand vm0, vm1;
	v3 =	vcombine.low v4, v3;
	v4 =	vimm.s32 $0xDCFE98BA  }
0x9b: {  	vm0 =	vmor vm2, vm0;
	v4 =	vunpack.c.l.s4.s8 v4  }
0x9c: {  	v0 =	vsel vm0, v5, v0;
	v3 =	vand.u32 $0xF, v3;
	v1 =	vsel vm0, v2, v1  }
0x9d: {  	v5 =	vimm.s32 $0x54761032;
	v2 =	vperm.xlane v0, v3;
	v3 =	vperm.xlane v1, v3  }
0x9e: {  	v5 =	vunpack.c.l.s4.s8 v5  }
0x9f: {  	v4 =	vunpack.c.0.s8.s32 v4;
	vm1 =	veq.f32 v2, v0;
	vm2 =	vlt.s32 v3, v1  }
0xa0: {  	vm0 =	vgt.f32 v2, v0;
	v5 =	vunpack.c.0.s8.s32 v5;
	vm1 =	vmand vm1, vm2  }
0xa1: {  	vm0 =	vmor vm0, vm1  }
0xa2: {  	v0 =	vsel vm0, v2, v0;
	v2 =	vcombine.low v5, v4  }
0xa3: {  	v1 =	vsel vm0, v3, v1;
	v3 =	vimm.s32 $0xEFCDAB89;
	v4 =	vimm.s32 $0x67452301  }
0xa4: {  	v3 =	vunpack.c.l.s4.s8 v3;
	v4 =	vunpack.c.l.s4.s8 v4;
	v2 =	vand.u32 $0xF, v2  }
0xa5: {  	v5 =	vperm.xlane v0, v2;
	v2 =	vperm.xlane v1, v2  }
0xa6: {  	v3 =	vunpack.c.0.s8.s32 v3;
	v4 =	vunpack.c.0.s8.s32 v4  }
0xa7: {  	vm0 =	veq.f32 v5, v0;
	vm1 =	vlt.s32 v2, v1  }
0xa8: {  	vm2 =	vgt.f32 v5, v0;
	v3 =	vcombine.low v4, v3;
	vm0 =	vmand vm0, vm1  }
0xa9: {  	vm0 =	vmor vm2, vm0  }
0xaa: {  	v0 =	vsel vm0, v5, v0;
	v1 =	vsel vm0, v2, v1;
	v2 =	vand.u32 $0xF, v3  }
0xab: {  	v3 =	vperm.xlane v0, v2;
	v2 =	vperm.xlane v1, v2;
	_ =	sdelay $0x1  }
0xac: {  	vm0 =	veq.f32 v3, v0;
	vm1 =	vlt.s32 v2, v1  }
0xad: {  	vm2 =	vgt.f32 v3, v0;
	vm0 =	vmand vm0, vm1  }
0xae: {  	vm0 =	vmor vm2, vm0  }
0xaf: {  	v0 =	vsel vm0, v2, v1  }
0xb0: {  	(v2sf) =	vpush v0, $0x0;
	_ =	sdelay $0xe  }
0xb1: {  	s22 =	spop (v2sf)  }
0xb2: {  	s11 =	sshll.u32 s11, $0x15;
	s23 =	sshll.u32 s22, $0xA  }
0xb3: {  	s12 =	sshll.u32 s22, $0x7;
	s11 =	sadd.s32 s11, s23  }
0xb4: {  	s12 =	sand.u32 $0x380, s12;
	s11 =	sand.u32 $0xFFFFE000, s11  }
0xb5: {  	s11 =	sor.u32 s12, s11  }
0xb6: {  	s24 =	simm.s32 $0x80;
	s25 =	simm.s32 $0x400;
	s11 =	sshrl.u32 s11, $0x3  }
0xb7: {  	s26 =	simm.s32 $0x2400;
	s28 =	simm.s32 $0x3;
	s11 =	sadd.s32 s5, s11  }
0xb8: {  	[tilespmem:s26], [sflag:$0x2] =	stream.strided.gather [hbm4b:s11+s24], $0x400, s25, s24, $0x38;
	[tilespmem:$0x3000] =	vst v63  }
0xb9: {  	_ =	swait.ge [sflag:s28], $0x800  }
0xba: {  	[sflag:s28] =	ssyncset.done $0x0  }
0xbb: {  	s29 =	simm.s32 $0x1040;
	[sflag:s28] =	ssyncadd.s32 $0xFFFFF800  }
0xbc: {  	v0 =	vld [tilespmem:s29+$0xFFFFFFC0]  }
0xbd: {  	v1 =	vld [tilespmem:s29+$0x0]  }
0xbe: {  	v11 =	vld [tilespmem:s29+$0xFFFFFFE0]  }
0xbf: {  	v12 =	vld [tilespmem:s29+$0xFFFFFFF0]  }
0xc0: {  	v3 =	vld [tilespmem:s29+$0xFFFFFFD0]  }
0xc1: {  	v13 =	vld [tilespmem:s29+$0x20]  }
0xc2: {  	v7 =	vimm.f32 $-Inf;
	v14 =	vld [tilespmem:s29+$0x30]  }
0xc3: {  	s30 =	simm.s32 $0x0;
	v5 =	vimm.s32 $0x0;
	s11 =	simm.s32 $0x10C0;
	v2 =	vld [tilespmem:s29+$0x10];
	vm0 =	vgt.f32 v0, v7;
	vm2 =	vgt.f32 v11, v7  }
0xc4: {  	v8 =	vld [tilespmem:s11+$0x0];
	vm3 =	vgt.f32 v12, v7;
	v0 =	vsel vm0, v0, v7;
	v4 =	vsel vm0, s30, v5  }
0xc5: {  	s31 =	simm.s32 $0x4;
	v9 =	vld [tilespmem:s11+$0xFFFFFFC0];
	vm0 =	vgt.f32 v3, v7;
	v15 =	vsel vm2, v11, v7;
	vm1 =	vgt.f32 v1, v0  }
0xc6: {  	v12 =	vsel vm3, v12, v7;
	vm4 =	vgt.f32 v13, v15;
	v6 =	vsel vm1, s31, v4;
	v4 =	vld [tilespmem:s11+$0x10]  }
0xc7: {  	vm5 =	vgt.f32 v14, v12;
	v10 =	vsel vm1, v1, v0;
	v0 =	vsel vm0, v3, v7;
	v3 =	vld [tilespmem:s11+$0xFFFFFFD0]  }
0xc8: {  	s14 =	simm.s32 $0x17;
	s15 =	simm.s32 $0x2;
	v1 =	vld [tilespmem:s11+$0xFFFFFFE0];
	v7 =	vsel vm4, v13, v15;
	v13 =	vimm.s32 $0x0;
	vm1 =	vgt.f32 v2, v0  }
0xc9: {  	s16 =	simm.s32 $0x3;
	s13 =	simm.s32 $0x7;
	s12 =	simm.s32 $0xF;
	v11 =	vsel vm1, v2, v0;
	v0 =	vld [tilespmem:s11+$0xFFFFFFF0];
	v2 =	vsel vm5, v14, v12;
	v12 =	vimm.s32 $0x0  }
.LBB2_5:
0xca: {  	p0 =	sne.s32 s14, $0x7F;
	vm6 =	vgt.f32 v9, v10;
	v14 =	vld [tilespmem:s11+$0x20];
	v5 =	vsel vm2, s15, v5;
	v13 =	vsel vm3, s16, v13;
	s15 =	sadd.s32 $0xFFFFFFFF, s13  }
0xcb: {  	s16 =	sadd.s32 $0xFFFFFFF9, s12;
	s17 =	sadd.s32 $0xFFFFFFFA, s13;
	v10 =	vsel vm6, v9, v10;
	v15 =	vld [tilespmem:s11+$0x30];
	s11 =	sadd.s32 $0x80, s11;
	v5 =	vsel vm4, s15, v5;
	v13 =	vsel vm5, s13, v13;
	v16 =	vmovc v4  }
0xcc: {  	v4 =	vsel vm6, s16, v6;
	s15 =	sadd.s32 $0xFFFFFFFD, s12;
	v12 =	vsel vm0, s17, v12;
	s16 =	sadd.s32 $0xFFFFFFFE, s13;
	s13 =	smov.u32 s12;
	v17 =	vld [tilespmem:s11+$0x0];
	vm2 =	vgt.f32 v8, v10  }
.Ltmp2:
0xcd: {  	s12 =	smov.u32 s14;
	v12 =	vsel vm1, s16, v12;
	v9 =	vld [tilespmem:s11+$0xFFFFFFC0];
	v10 =	vsel vm2, v8, v10;
	v6 =	vsel vm2, s15, v4;
	(pc) =	sbr.rel @p0 .LBB2_5-.Ltmp2, $4  }
0xce: {  	vm0 =	vgt.f32 v3, v11;
	vm2 =	vgt.f32 v1, v7;
	v4 =	vld [tilespmem:s11+$0x10];
	vm3 =	vgt.f32 v0, v2  }
0xcf: {  	v18 =	vsel vm0, v3, v11;
	v7 =	vsel vm2, v1, v7;
	v3 =	vld [tilespmem:s11+$0xFFFFFFD0];
	v2 =	vsel vm3, v0, v2  }
0xd0: {  	vm1 =	vgt.f32 v16, v18;
	vm4 =	vgt.f32 v14, v7;
	v1 =	vld [tilespmem:s11+$0xFFFFFFE0];
	vm5 =	vgt.f32 v15, v2  }
0xd1: {  	s14 =	sadd.s32 $0x8, s14;
	s16 =	sadd.s32 $0xFFFFFFFC, s13;
	s15 =	sadd.s32 $0xFFFFFFFB, s13;
	v11 =	vsel vm1, v16, v18;
	v7 =	vsel vm4, v14, v7;
	v0 =	vld [tilespmem:s11+$0xFFFFFFF0];
	v2 =	vsel vm5, v15, v2;
	v8 =	vmovc v17  }
0xd2: {  	vm6 =	vgt.f32 v9, v10  }
0xd3: {  	v5 =	vsel vm2, s15, v5;
	v13 =	vsel vm3, s16, v13;
	s14 =	sadd.s32 $0xFFFFFFFF, s13;
	s30 =	sadd.s32 $0xFFFFFFF9, s12;
	v9 =	vsel vm6, v9, v10  }
0xd4: {  	s31 =	sadd.s32 $0xFFFFFFFA, s13;
	v5 =	vsel vm4, s14, v5;
	v10 =	vsel vm5, s13, v13;
	v6 =	vsel vm6, s30, v6  }
0xd5: {  	s15 =	sadd.s32 $0xFFFFFFFE, s13;
	v13 =	vld [tilespmem:s11+$0x20];
	v12 =	vsel vm0, s31, v12;
	vm2 =	vgt.f32 v8, v9;
	vm0 =	vgt.f32 v3, v11  }
0xd6: {  	s16 =	sadd.s32 $0xFFFFFFFD, s12;
	s17 =	sadd.s32 $0xFFFFFFFA, s12;
	v8 =	vsel vm2, v8, v9;
	v9 =	vsel vm1, s15, v12;
	v3 =	vsel vm0, v3, v11  }
0xd7: {  	s18 =	sadd.s32 $0xFFFFFFFE, s12;
	v6 =	vsel vm2, s16, v6;
	vm1 =	vgt.f32 v4, v3;
	v9 =	vsel vm0, s17, v9  }
0xd8: {  	vm0 =	vgt.f32 v1, v7;
	v3 =	vsel vm1, v4, v3;
	v4 =	vsel vm1, s18, v9  }
0xd9: {  	v1 =	vsel vm0, v1, v7;
	vm1 =	veq.f32 v3, v8;
	vm2 =	vlt.s32 v4, v6  }
0xda: {  	s19 =	sadd.s32 $0xFFFFFFFB, s12;
	v7 =	vld [tilespmem:s11+$0x30];
	vm3 =	vgt.f32 v13, v1;
	vm4 =	vgt.f32 v3, v8;
	vm1 =	vmand vm1, vm2  }
0xdb: {  	s20 =	sadd.s32 $0xFFFFFFFF, s12;
	v5 =	vsel vm0, s19, v5;
	v1 =	vsel vm3, v13, v1;
	vm0 =	vmor vm4, vm1  }
0xdc: {  	v5 =	vsel vm3, s20, v5;
	v3 =	vsel vm0, v3, v8;
	v4 =	vsel vm0, v4, v6  }
0xdd: {  	vm0 =	vgt.f32 v0, v2;
	vm1 =	veq.f32 v1, v3;
	vm2 =	vlt.s32 v5, v4  }
0xde: {  	s21 =	sadd.s32 $0xFFFFFFFC, s12;
	v0 =	vsel vm0, v0, v2;
	vm3 =	vgt.f32 v1, v3;
	vm1 =	vmand vm1, vm2  }
0xdf: {  	v2 =	vsel vm0, s21, v10;
	vm2 =	vgt.f32 v7, v0;
	vm0 =	vmor vm3, vm1  }
0xe0: {  	v0 =	vsel vm2, v7, v0;
	v2 =	vsel vm2, s12, v2;
	v1 =	vsel vm0, v1, v3  }
0xe1: {  	v3 =	vsel vm0, v5, v4;
	v4 =	vimm.s32 $0xFEDCBA98;
	v5 =	vimm.s32 $0x76543210  }
0xe2: {  	vm0 =	veq.f32 v0, v1;
	vm1 =	vlt.s32 v2, v3;
	v4 =	vunpack.c.l.s4.s8 v4  }
0xe3: {  	vm2 =	vgt.f32 v0, v1;
	v5 =	vunpack.c.l.s4.s8 v5;
	vm0 =	vmand vm0, vm1  }
0xe4: {  	vm0 =	vmor vm2, vm0;
	v4 =	vunpack.c.0.s8.s32 v4  }
0xe5: {  	v0 =	vsel vm0, v0, v1;
	v1 =	vsel vm0, v2, v3;
	v2 =	vunpack.c.0.s8.s32 v5  }
0xe6: {  	v3 =	vlaneseq.u32;
	v5 =	vimm.s32 $0x32107654;
	v4 =	vand.u32 $0xF, v4  }
0xe7: {  	v1 =	vshll.u32 v1, $0x4;
	v2 =	vcombine.low v4, v2;
	v4 =	vimm.s32 $0xBA98FEDC  }
0xe8: {  	v1 =	vor.u32 v3, v1;
	v3 =	vunpack.c.l.s4.s8 v4;
	v4 =	vunpack.c.l.s4.s8 v5  }
0xe9: {  	v5 =	vperm.xlane v0, v2;
	v2 =	vperm.xlane v1, v2  }
0xea: {  	v3 =	vunpack.c.0.s8.s32 v3;
	v4 =	vunpack.c.0.s8.s32 v4  }
0xeb: {  	vm0 =	veq.f32 v5, v0;
	vm1 =	vlt.s32 v2, v1;
	vm2 =	vgt.f32 v5, v0  }
0xec: {  	vm0 =	vmand vm0, vm1;
	v3 =	vcombine.low v4, v3;
	v4 =	vimm.s32 $0xDCFE98BA  }
0xed: {  	vm0 =	vmor vm2, vm0;
	v4 =	vunpack.c.l.s4.s8 v4  }
0xee: {  	v0 =	vsel vm0, v5, v0;
	v3 =	vand.u32 $0xF, v3;
	v1 =	vsel vm0, v2, v1  }
0xef: {  	v5 =	vimm.s32 $0x54761032;
	v2 =	vperm.xlane v0, v3;
	v3 =	vperm.xlane v1, v3  }
0xf0: {  	v5 =	vunpack.c.l.s4.s8 v5  }
0xf1: {  	v4 =	vunpack.c.0.s8.s32 v4;
	vm1 =	veq.f32 v2, v0;
	vm2 =	vlt.s32 v3, v1  }
0xf2: {  	vm0 =	vgt.f32 v2, v0;
	v5 =	vunpack.c.0.s8.s32 v5;
	vm1 =	vmand vm1, vm2  }
0xf3: {  	vm0 =	vmor vm0, vm1  }
0xf4: {  	v0 =	vsel vm0, v2, v0;
	v2 =	vcombine.low v5, v4  }
0xf5: {  	v1 =	vsel vm0, v3, v1;
	v3 =	vimm.s32 $0xEFCDAB89;
	v4 =	vimm.s32 $0x67452301  }
0xf6: {  	v3 =	vunpack.c.l.s4.s8 v3;
	v4 =	vunpack.c.l.s4.s8 v4;
	v2 =	vand.u32 $0xF, v2  }
0xf7: {  	v5 =	vperm.xlane v0, v2;
	v2 =	vperm.xlane v1, v2  }
0xf8: {  	v3 =	vunpack.c.0.s8.s32 v3;
	v4 =	vunpack.c.0.s8.s32 v4  }
0xf9: {  	vm0 =	veq.f32 v5, v0;
	vm1 =	vlt.s32 v2, v1  }
0xfa: {  	vm2 =	vgt.f32 v5, v0;
	v3 =	vcombine.low v4, v3;
	vm0 =	vmand vm0, vm1  }
0xfb: {  	vm0 =	vmor vm2, vm0  }
0xfc: {  	v0 =	vsel vm0, v5, v0;
	v1 =	vsel vm0, v2, v1;
	v2 =	vand.u32 $0xF, v3  }
0xfd: {  	v3 =	vperm.xlane v0, v2;
	v2 =	vperm.xlane v1, v2;
	_ =	sdelay $0x1  }
0xfe: {  	vm0 =	veq.f32 v3, v0;
	vm1 =	vlt.s32 v2, v1  }
0xff: {  	vm2 =	vgt.f32 v3, v0;
	vm0 =	vmand vm0, vm1  }
0x100: {  	vm0 =	vmor vm2, vm0  }
0x101: {  	v0 =	vsel vm0, v2, v1  }
0x102: {  	(v2sf) =	vpush v0, $0x0;
	_ =	sdelay $0xe  }
0x103: {  	s22 =	spop (v2sf)  }
0x104: {  	s10 =	sshll.u32 s10, $0x15;
	s23 =	sshll.u32 s22, $0xA  }
0x105: {  	s11 =	sshll.u32 s22, $0x7;
	s10 =	sadd.s32 s10, s23  }
0x106: {  	s11 =	sand.u32 $0x380, s11;
	s10 =	sand.u32 $0xFFFFE000, s10  }
0x107: {  	s10 =	sor.u32 s11, s10  }
0x108: {  	s24 =	simm.s32 $0x80;
	s25 =	simm.s32 $0x400;
	s10 =	sshrl.u32 s10, $0x3  }
0x109: {  	s26 =	simm.s32 $0x2800;
	s28 =	simm.s32 $0x4;
	s10 =	sadd.s32 s5, s10  }
0x10a: {  	[tilespmem:s26], [sflag:$0x3] =	stream.strided.gather [hbm4b:s10+s24], $0x400, s25, s24, $0x38;
	[tilespmem:$0x3000] =	vst v63  }
0x10b: {  	_ =	swait.ge [sflag:s28], $0x800  }
0x10c: {  	[sflag:s28] =	ssyncset.done $0x0  }
0x10d: {  	s29 =	simm.s32 $0x1840;
	[sflag:s28] =	ssyncadd.s32 $0xFFFFF800  }
0x10e: {  	v0 =	vld [tilespmem:s29+$0xFFFFFFC0]  }
0x10f: {  	v1 =	vld [tilespmem:s29+$0x0]  }
0x110: {  	v11 =	vld [tilespmem:s29+$0xFFFFFFE0]  }
0x111: {  	v12 =	vld [tilespmem:s29+$0xFFFFFFF0]  }
0x112: {  	v3 =	vld [tilespmem:s29+$0xFFFFFFD0]  }
0x113: {  	v13 =	vld [tilespmem:s29+$0x20]  }
0x114: {  	v7 =	vimm.f32 $-Inf;
	v14 =	vld [tilespmem:s29+$0x30]  }
0x115: {  	s30 =	simm.s32 $0x0;
	v5 =	vimm.s32 $0x0;
	s10 =	simm.s32 $0x18C0;
	v2 =	vld [tilespmem:s29+$0x10];
	vm0 =	vgt.f32 v0, v7;
	vm2 =	vgt.f32 v11, v7  }
0x116: {  	v8 =	vld [tilespmem:s10+$0x0];
	vm3 =	vgt.f32 v12, v7;
	v0 =	vsel vm0, v0, v7;
	v4 =	vsel vm0, s30, v5  }
0x117: {  	s31 =	simm.s32 $0x4;
	v9 =	vld [tilespmem:s10+$0xFFFFFFC0];
	vm0 =	vgt.f32 v3, v7;
	v15 =	vsel vm2, v11, v7;
	vm1 =	vgt.f32 v1, v0  }
0x118: {  	v12 =	vsel vm3, v12, v7;
	vm4 =	vgt.f32 v13, v15;
	v6 =	vsel vm1, s31, v4;
	v4 =	vld [tilespmem:s10+$0x10]  }
0x119: {  	vm5 =	vgt.f32 v14, v12;
	v10 =	vsel vm1, v1, v0;
	v0 =	vsel vm0, v3, v7;
	v3 =	vld [tilespmem:s10+$0xFFFFFFD0]  }
0x11a: {  	s13 =	simm.s32 $0x17;
	s14 =	simm.s32 $0x2;
	v1 =	vld [tilespmem:s10+$0xFFFFFFE0];
	v7 =	vsel vm4, v13, v15;
	v13 =	vimm.s32 $0x0;
	vm1 =	vgt.f32 v2, v0  }
0x11b: {  	s15 =	simm.s32 $0x3;
	s12 =	simm.s32 $0x7;
	s11 =	simm.s32 $0xF;
	v11 =	vsel vm1, v2, v0;
	v0 =	vld [tilespmem:s10+$0xFFFFFFF0];
	v2 =	vsel vm5, v14, v12;
	v12 =	vimm.s32 $0x0  }
.LBB2_7:
0x11c: {  	p0 =	sne.s32 s13, $0x7F;
	vm6 =	vgt.f32 v9, v10;
	v14 =	vld [tilespmem:s10+$0x20];
	v5 =	vsel vm2, s14, v5;
	v13 =	vsel vm3, s15, v13;
	s14 =	sadd.s32 $0xFFFFFFFF, s12  }
0x11d: {  	s15 =	sadd.s32 $0xFFFFFFF9, s11;
	s16 =	sadd.s32 $0xFFFFFFFA, s12;
	v10 =	vsel vm6, v9, v10;
	v15 =	vld [tilespmem:s10+$0x30];
	s10 =	sadd.s32 $0x80, s10;
	v5 =	vsel vm4, s14, v5;
	v13 =	vsel vm5, s12, v13;
	v16 =	vmovc v4  }
0x11e: {  	v4 =	vsel vm6, s15, v6;
	s14 =	sadd.s32 $0xFFFFFFFD, s11;
	v12 =	vsel vm0, s16, v12;
	s15 =	sadd.s32 $0xFFFFFFFE, s12;
	s12 =	smov.u32 s11;
	v17 =	vld [tilespmem:s10+$0x0];
	vm2 =	vgt.f32 v8, v10  }
.Ltmp3:
0x11f: {  	s11 =	smov.u32 s13;
	v12 =	vsel vm1, s15, v12;
	v9 =	vld [tilespmem:s10+$0xFFFFFFC0];
	v10 =	vsel vm2, v8, v10;
	v6 =	vsel vm2, s14, v4;
	(pc) =	sbr.rel @p0 .LBB2_7-.Ltmp3, $4  }
0x120: {  	vm0 =	vgt.f32 v3, v11;
	vm2 =	vgt.f32 v1, v7;
	v4 =	vld [tilespmem:s10+$0x10];
	vm3 =	vgt.f32 v0, v2  }
0x121: {  	v18 =	vsel vm0, v3, v11;
	v7 =	vsel vm2, v1, v7;
	v3 =	vld [tilespmem:s10+$0xFFFFFFD0];
	v2 =	vsel vm3, v0, v2  }
0x122: {  	vm1 =	vgt.f32 v16, v18;
	vm4 =	vgt.f32 v14, v7;
	v1 =	vld [tilespmem:s10+$0xFFFFFFE0];
	vm5 =	vgt.f32 v15, v2  }
0x123: {  	s13 =	sadd.s32 $0x8, s13;
	s15 =	sadd.s32 $0xFFFFFFFC, s12;
	s14 =	sadd.s32 $0xFFFFFFFB, s12;
	v11 =	vsel vm1, v16, v18;
	v7 =	vsel vm4, v14, v7;
	v0 =	vld [tilespmem:s10+$0xFFFFFFF0];
	v2 =	vsel vm5, v15, v2;
	v8 =	vmovc v17  }
0x124: {  	vm6 =	vgt.f32 v9, v10;
	v5 =	vsel vm2, s14, v5;
	v13 =	vsel vm3, s15, v13  }
0x125: {  	s13 =	sadd.s32 $0xFFFFFFFF, s12;
	v45 =	vimm.s32 $0xFEDCBA98;
	v46 =	vimm.s32 $0x76543210;
	v49 =	vlaneseq.u32  }
0x126: {  	s26 =	sadd.s32 $0xFFFFFFF9, s11;
	s28 =	sadd.s32 $0xFFFFFFFA, s12;
	v9 =	vsel vm6, v9, v10;
	v5 =	vsel vm4, s13, v5;
	v38 =	vsel vm5, s12, v13  }
0x127: {  	s29 =	sadd.s32 $0xFFFFFFFE, s12;
	v6 =	vsel vm6, s26, v6;
	v12 =	vsel vm0, s28, v12;
	vm9 =	vgt.f32 v8, v9  }
0x128: {  	v39 =	vld [tilespmem:s10+$0x20];
	s30 =	sadd.s32 $0xFFFFFFFD, s11;
	vm10 =	vgt.f32 v3, v11;
	v40 =	vsel vm1, s29, v12;
	v8 =	vsel vm9, v8, v9  }
0x129: {  	s31 =	sadd.s32 $0xFFFFFFFA, s11;
	v3 =	vsel vm10, v3, v11;
	v6 =	vsel vm9, s30, v6;
	vm12 =	vgt.f32 v1, v7  }
0x12a: {  	s14 =	sadd.s32 $0xFFFFFFFB, s11;
	s13 =	sadd.s32 $0xFFFFFFFE, s11;
	v9 =	vsel vm10, s31, v40;
	vm11 =	vgt.f32 v4, v3;
	v1 =	vsel vm12, v1, v7  }
0x12b: {  	v5 =	vsel vm12, s14, v5;
	v3 =	vsel vm11, v4, v3;
	v41 =	vsel vm11, s13, v9  }
0x12c: {  	v42 =	vld [tilespmem:s10+$0x30];
	vm7 =	vgt.f32 v0, v2;
	vm13 =	veq.f32 v3, v8;
	vm2 =	vlt.s32 v41, v6  }
0x12d: {  	vm14 =	vgt.f32 v39, v1;
	vm15 =	vgt.f32 v3, v8;
	vm1 =	vmand vm13, vm2  }
0x12e: {  	s15 =	sadd.s32 $0xFFFFFFFF, s11;
	v0 =	vsel vm7, v0, v2;
	v1 =	vsel vm14, v39, v1;
	vm6 =	vmor vm15, vm1  }
0x12f: {  	s16 =	sadd.s32 $0xFFFFFFFC, s11;
	v5 =	vsel vm14, s15, v5;
	v3 =	vsel vm6, v3, v8;
	v4 =	vsel vm6, v41, v6  }
0x130: {  	v43 =	vsel vm7, s16, v38;
	vm8 =	veq.f32 v1, v3;
	vm9 =	vlt.s32 v5, v4  }
0x131: {  	vm11 =	vgt.f32 v42, v0;
	vm10 =	vgt.f32 v1, v3;
	vm1 =	vmand vm8, vm9  }
0x132: {  	v0 =	vsel vm11, v42, v0;
	v2 =	vsel vm11, s11, v43;
	vm12 =	vmor vm10, vm1  }
0x133: {  	v1 =	vsel vm12, v1, v3;
	v44 =	vsel vm12, v5, v4;
	v4 =	vunpack.c.l.s4.s8 v45  }
0x134: {  	v5 =	vunpack.c.l.s4.s8 v46;
	vm13 =	veq.f32 v0, v1;
	vm14 =	vlt.s32 v2, v44  }
0x135: {  	vm15 =	vgt.f32 v0, v1;
	vm0 =	vmand vm13, vm14;
	v4 =	vunpack.c.0.s8.s32 v4  }
0x136: {  	v50 =	vimm.s32 $0xBA98FEDC;
	v48 =	vunpack.c.0.s8.s32 v5;
	vm0 =	vmor vm15, vm0  }
0x137: {  	v51 =	vimm.s32 $0x32107654;
	v47 =	vsel vm0, v2, v44;
	v4 =	vand.u32 $0xF, v4  }
0x138: {  	v0 =	vsel vm0, v0, v1;
	v1 =	vshll.u32 v47, $0x4;
	v2 =	vcombine.low v4, v48  }
0x139: {  	v52 =	vunpack.c.l.s4.s8 v50;
	v53 =	vunpack.c.l.s4.s8 v51;
	v1 =	vor.u32 v49, v1  }
0x13a: {  	v56 =	vimm.s32 $0xDCFE98BA;
	v54 =	vperm.xlane v0, v2;
	v2 =	vperm.xlane v1, v2  }
0x13b: {  	v57 =	vimm.s32 $0x54761032;
	v3 =	vunpack.c.0.s8.s32 v52;
	v4 =	vunpack.c.0.s8.s32 v53  }
0x13c: {  	v5 =	vunpack.c.l.s4.s8 v57;
	vm4 =	veq.f32 v54, v0;
	vm5 =	vlt.s32 v2, v1  }
0x13d: {  	v3 =	vcombine.low v4, v3;
	vm6 =	vgt.f32 v54, v0;
	vm0 =	vmand vm4, vm5  }
0x13e: {  	v5 =	vunpack.c.0.s8.s32 v5;
	v4 =	vunpack.c.l.s4.s8 v56;
	vm0 =	vmor vm6, vm0  }
0x13f: {  	v3 =	vand.u32 $0xF, v3;
	v0 =	vsel vm0, v54, v0;
	v1 =	vsel vm0, v2, v1  }
0x140: {  	v4 =	vunpack.c.0.s8.s32 v4;
	v55 =	vperm.xlane v0, v3;
	v3 =	vperm.xlane v1, v3  }
0x141: {  	v59 =	vimm.s32 $0xEFCDAB89  }
0x142: {  	v58 =	vcombine.low v5, v4;
	vm8 =	veq.f32 v55, v0;
	vm9 =	vlt.s32 v3, v1  }
0x143: {  	v60 =	vimm.s32 $0x67452301;
	vm7 =	vgt.f32 v55, v0;
	vm1 =	vmand vm8, vm9  }
0x144: {  	v4 =	vunpack.c.l.s4.s8 v60;
	v2 =	vand.u32 $0xF, v58;
	vm0 =	vmor vm7, vm1  }
0x145: {  	v0 =	vsel vm0, v55, v0;
	v1 =	vsel vm0, v3, v1;
	v3 =	vunpack.c.l.s4.s8 v59  }
0x146: {  	v61 =	vperm.xlane v0, v2;
	v2 =	vperm.xlane v1, v2  }
0x147: {  	v4 =	vunpack.c.0.s8.s32 v4;
	v3 =	vunpack.c.0.s8.s32 v3  }
0x148: {  	vm10 =	veq.f32 v61, v0;
	vm11 =	vlt.s32 v2, v1  }
0x149: {  	vm12 =	vgt.f32 v61, v0;
	vm0 =	vmand vm10, vm11;
	v3 =	vcombine.low v4, v3  }
0x14a: {  	vm0 =	vmor vm12, vm0  }
0x14b: {  	v0 =	vsel vm0, v61, v0;
	v1 =	vsel vm0, v2, v1;
	v62 =	vand.u32 $0xF, v3  }
0x14c: {  	v3 =	vperm.xlane v0, v62;
	v2 =	vperm.xlane v1, v62;
	_ =	sdelay $0x1  }
0x14d: {  	vm13 =	veq.f32 v3, v0;
	vm14 =	vlt.s32 v2, v1  }
0x14e: {  	vm15 =	vgt.f32 v3, v0;
	vm0 =	vmand vm13, vm14  }
0x14f: {  	vm0 =	vmor vm15, vm0  }
0x150: {  	v63 =	vsel vm0, v2, v1  }
0x151: {  	(v2sf) =	vpush v63, $0x0;
	_ =	sdelay $0xe  }
0x152: {  	s17 =	spop (v2sf)  }
0x153: {  	s9 =	sshll.u32 s9, $0x15;
	s18 =	sshll.u32 s17, $0xA  }
0x154: {  	s10 =	sshll.u32 s17, $0x7;
	s9 =	sadd.s32 s9, s18  }
0x155: {  	s10 =	sand.u32 $0x380, s10;
	s9 =	sand.u32 $0xFFFFE000, s9  }
0x156: {  	s19 =	simm.s32 $0x80;
	s9 =	sor.u32 s10, s9  }
0x157: {  	s20 =	simm.s32 $0x400;
	s21 =	simm.s32 $0x2C00;
	s9 =	sshrl.u32 s9, $0x3  }
0x158: {  	s22 =	sshll.u32 s7, $0xD;
	s23 =	simm.s32 $0x1;
	s5 =	sadd.s32 s5, s9  }
0x159: {  	[tilespmem:s21], [sflag:$0x4] =	stream.strided.gather [hbm4b:s5+s19], $0x400, s20, s19, $0x38;
	[tilespmem:$0x3000] =	vst v63  }
0x15a: {  	s8 =	sor.u32 s8, s22;
	_ =	swait.ge [sflag:s23], $0x400  }
0x15b: {  	s24 =	simm.s32 $0x2000;
	s8 =	sshrl.u32 s8, $0x3;
	[sflag:s23] =	ssyncset.done $0x0  }
0x15c: {  	s25 =	simm.s32 $0x2;
	s8 =	sadd.s32 s2, s8;
	[sflag:s23] =	ssyncadd.s32 $0xFFFFFC00  }
0x15d: {  	[hbm4b:s8+s19] =	stream.strided.scatter [tilespmem:s24], [sflag:$0x1], $0x400, s20, s19, $0x38;
	[tilespmem:$0x3000] =	vst v63  }
0x15e: {  	s6 =	sor.u32 s22, s6;
	_ =	swait.ge [sflag:s25], $0x400  }
0x15f: {  	s26 =	simm.s32 $0x2400;
	s6 =	sshrl.u32 s6, $0x3;
	[sflag:s25] =	ssyncset.done $0x0  }
0x160: {  	s28 =	simm.s32 $0x3;
	s6 =	sadd.s32 s2, s6;
	[sflag:s25] =	ssyncadd.s32 $0xFFFFFC00  }
0x161: {  	[hbm4b:s6+s19] =	stream.strided.scatter [tilespmem:s26], [sflag:$0x2], $0x400, s20, s19, $0x38;
	[tilespmem:$0x3000] =	vst v63  }
0x162: {  	s4 =	sor.u32 s22, s4;
	_ =	swait.ge [sflag:s28], $0x400  }
0x163: {  	s4 =	sshrl.u32 s4, $0x3;
	s29 =	simm.s32 $0x2800;
	[sflag:s28] =	ssyncset.done $0x0  }
0x164: {  	s4 =	sadd.s32 s2, s4;
	s30 =	simm.s32 $0x4;
	[sflag:s28] =	ssyncadd.s32 $0xFFFFFC00  }
0x165: {  	[hbm4b:s4+s19] =	stream.strided.scatter [tilespmem:s29], [sflag:$0x3], $0x400, s20, s19, $0x38;
	[tilespmem:$0x3000] =	vst v63  }
0x166: {  	s3 =	sor.u32 s22, s3;
	_ =	swait.ge [sflag:s30], $0x400  }
0x167: {  	s3 =	sshrl.u32 s3, $0x3;
	[sflag:s30] =	ssyncset.done $0x0  }
0x168: {  	s31 =	sadd.s32 s2, s3;
	[sflag:s30] =	ssyncadd.s32 $0xFFFFFC00  }
0x169: {  	[hbm4b:s31+s19] =	stream.strided.scatter [tilespmem:s21], [sflag:$0x4], $0x400, s20, s19, $0x38;
	[tilespmem:$0x3000] =	vst v63  }
0x16a: {  	_ =	swait.ge [sflag:s23], $0x400  }
0x16b: {  	[sflag:s23] =	ssyncset.done $0x0  }
0x16c: {  	[sflag:s23] =	ssyncadd.s32 $0xFFFFFC00  }
0x16d: {  	_ =	swait.ge [sflag:s25], $0x400  }
0x16e: {  	[sflag:s25] =	ssyncset.done $0x0  }
0x16f: {  	[sflag:s25] =	ssyncadd.s32 $0xFFFFFC00  }
0x170: {  	_ =	swait.ge [sflag:s28], $0x400  }
0x171: {  	[sflag:s28] =	ssyncset.done $0x0  }
0x172: {  	[sflag:s28] =	ssyncadd.s32 $0xFFFFFC00  }
0x173: {  	_ =	swait.ge [sflag:s30], $0x400  }
0x174: {  	[sflag:s30] =	ssyncset.done $0x0  }
0x175: {  	[sflag:s30] =	ssyncadd.s32 $0xFFFFFC00  }
0x176: {  	_ =	sfence.sel $0x180000  }
0x177: {  	[bflag:$0x0] =	sbarrier.arrive $0xFFFF  }
0x178: {  	p0 =	sne.s32 s1, $0x0;
	_ =	strace $0x90000047  }
0x179: {  	s0 =	sadd.s32 @!p0 $0x100000, s0;
	[bflag:$0x2] =	sbarrier.arrive $0xFFFF  }
0x17a: {  	[sflag:s0] =	ssyncadd.tile.s32 @!p0 $0x1;
	_ =	shalt  }
.Lfunc_end2:
_tile_overlayer_lowered:
.L_overlay_start_2:
0x17b: {  	(tag) =	ssettag $0x2  }
0x17c: {  	s0 =	rddreg [dreg:$0x0];
	s2 =	stileid.u32  }
0x17d: {  	s1 =	rddreg [dreg:$0x1];
	p0 =	sne.s32 s2, $0x0  }
0x17e: {  	s3 =	rddreg [dreg:$0x2];
	[bflag:$0x3] =	sbarrier.arrive $0xFFFF;
	s2 =	simm.s32 @!p0 $0x1C05  }
0x17f: {  	[timem:s3], [sflag:s2] =	dma.local @!p0 [hbm:s0], s1  }
0x180: {  	s0 =	simm.s32 @!p0 $0x5  }
0x181: {  	_ =	swait.ge @!p0 [sflag:s0], s1  }
0x182: {  	s1 =	ssub.s32 @!p0 $0x0, s1;
	[sflag:s0] =	ssyncset.done @!p0 $0x0  }
0x183: {  	[sflag:s0] =	ssyncadd.s32 @!p0 s1  }
0x184: {  	[bflag:$0x3] =	sbarrier.arrive $0xFFFF  }
0x185: {  	_ =	shalt  }

</sc_bundles>
